<compile_context>
chip_gen: v7x
topology: tpu7x:2x2x1
jax: 0.10.2.dev20260603
libtpu: 0.0.44.dev20260713+nightly
codegen_flags: <defaults>
</compile_context>

<pallas_src>
import functools

import jax
import jax.numpy as jnp
from jax import lax
from jax.experimental import pallas as pl
from jax.experimental.pallas import tpu as pltpu
from jax.experimental.pallas import tpu_sc as plsc

N_E = 8192
D = 64
M = 36864
BM = 512
BN = 512
NM = M // BM
NN = N_E // BN
BETA = 0.25

NC = 2
NS = 16
NW = NC * NS
RPW = M // NW
G = 128
NCH = RPW // G


def _argmin_body(z_ref, w_ref, idx_ref, loss_ref, acc_ref):
    i = pl.program_id(0)
    zb = z_ref[...]
    t1 = jnp.sum(zb * zb, axis=1, keepdims=True)
    run_min = jnp.full((BM, 1), jnp.inf, jnp.float32)
    run_loss = jnp.full((BM, 1), jnp.inf, jnp.float32)
    run_idx = jnp.zeros((BM, 1), jnp.int32)
    for n in range(NN):
        wb = w_ref[pl.ds(n * BN, BN), :]
        t2 = jnp.sum(wb * wb, axis=1)
        t3 = lax.dot_general(zb, wb, (((1,), (1,)), ((), ())),
                             preferred_element_type=jnp.float32)
        d = (t1 + t2[None, :]) - 2.0 * t3
        bmin = jnp.min(d, axis=1, keepdims=True)
        iota = lax.broadcasted_iota(jnp.int32, (BM, BN), 1) + (n * BN)
        bidx = jnp.min(jnp.where(d == bmin, iota, jnp.int32(2**30)),
                       axis=1, keepdims=True)
        better = bmin < run_min
        run_idx = jnp.where(better, bidx, run_idx)
        run_min = jnp.where(better, bmin, run_min)
        run_loss = jnp.minimum(run_loss, bmin)
        if (n + 1) * BN == N_E // 2:
            run_min = run_min.astype(jnp.bfloat16).astype(jnp.float32)
    idx_ref[0, 0, :] = run_idx[:, 0]

    @pl.when(i == 0)
    def _():
        acc_ref[0] = 0.0

    acc_ref[0] += jnp.sum(run_loss)

    @pl.when(i == NM - 1)
    def _():
        loss_ref[0, 0] = acc_ref[0] * ((1.0 + BETA) / (M * D))


def _argmin_call(z_flat, W):
    return pl.pallas_call(
        _argmin_body,
        grid=(NM,),
        in_specs=[
            pl.BlockSpec((BM, D), lambda i: (i, 0)),
            pl.BlockSpec((N_E, D), lambda i: (0, 0)),
        ],
        out_specs=[
            pl.BlockSpec((1, 1, BM), lambda i: (i, 0, 0)),
            pl.BlockSpec(memory_space=pltpu.SMEM),
        ],
        out_shape=[
            jax.ShapeDtypeStruct((NM, 1, BM), jnp.int32),
            jax.ShapeDtypeStruct((1, 1), jnp.float32),
        ],
        scratch_shapes=[pltpu.SMEM((1,), jnp.float32)],
    )(z_flat, W)


def _sc_gather_hist_body(idx_hbm, w_hbm, zq_hbm, hist_hbm,
                         idx_v, rows_v, hist_v, sem):
    c = lax.axis_index("c")
    s = lax.axis_index("s")
    wid = s * NC + c
    base = wid * RPW
    pltpu.sync_copy(idx_hbm.at[pl.ds(base, RPW)], idx_v)

    zero16 = jnp.zeros((16,), jnp.float32)

    def _zero(i, carry):
        hist_v[pl.ds(i * 16, 16)] = zero16
        return carry

    lax.fori_loop(0, N_E // 16, _zero, 0)

    ones16 = jnp.ones((16,), jnp.float32)
    for j in range(NCH):
        pltpu.async_copy(w_hbm.at[idx_v.at[pl.ds(j * G, G)]], rows_v, sem).wait()
        pltpu.sync_copy(rows_v, zq_hbm.at[pl.ds(base + j * G, G)])
        for t in range(G // 16):
            v = idx_v[pl.ds(j * G + t * 16, 16)]
            plsc.addupdate_scatter(hist_v, [v], ones16)
    pltpu.sync_copy(hist_v, hist_hbm.at[wid])


def _sc_gather_hist(idx_flat, W):
    mesh = plsc.VectorSubcoreMesh(core_axis_name="c", subcore_axis_name="s")
    f = functools.partial(
        pl.kernel,
        mesh=mesh,
        out_type=[
            jax.ShapeDtypeStruct((M, D), jnp.float32),
            jax.ShapeDtypeStruct((NW, N_E), jnp.float32),
        ],
        scratch_types=[
            pltpu.VMEM((RPW,), jnp.int32),
            pltpu.VMEM((G, D), jnp.float32),
            pltpu.VMEM((N_E,), jnp.float32),
            pltpu.SemaphoreType.DMA,
        ],
        compiler_params=pltpu.CompilerParams(
            needs_layout_passes=False, use_tc_tiling_on_sc=False),
    )(_sc_gather_hist_body)
    return f(idx_flat, W)


def _finalize_body(hist_ref, out_ref):
    counts = jnp.sum(hist_ref[...], axis=0)
    p = counts * jnp.float32(1.0 / M)
    ent = p * jnp.log(p + jnp.float32(1e-10))
    out_ref[0, 0] = jnp.exp(-jnp.sum(ent))


def _finalize_call(hists):
    return pl.pallas_call(
        _finalize_body,
        in_specs=[pl.BlockSpec((NW, N_E), lambda: (0, 0))],
        out_specs=pl.BlockSpec(memory_space=pltpu.SMEM),
        out_shape=jax.ShapeDtypeStruct((1, 1), jnp.float32),
    )(hists)


def kernel(z, W):
    B, k, d_ = z.shape
    z_flat = z.reshape(B * k, d_)
    idx3, loss11 = _argmin_call(z_flat, W)
    idx_flat = idx3.reshape(M)
    zq, hists = _sc_gather_hist(idx_flat, W)
    perp11 = _finalize_call(hists)
    return (loss11[0, 0], zq.reshape(B, k, d_), perp11[0, 0],
            idx3.reshape(B, k))

# --- scband reference (transcript-rebuilt; emitter-appended) ---
"""Pipeline reference for scband-multi-codebook-vector-quantizer-64742337020151 (READ-ONLY COPY).

The authoritative reference and input builder live on the scoring server;
editing this copy changes nothing except your own understanding.
"""

import jax, jax.numpy as jnp
import numpy as np

N_E = 8192
E_DIM = 64
BETA = 0.25

def setup_inputs(seed: int = 0) -> dict:
    key = jax.random.key(seed)
    k1, k2 = jax.random.split(key)
    z = jax.random.normal(k1, (64, 576, E_DIM), dtype=jnp.float32)
    W = jax.random.uniform(k2, (N_E, E_DIM), minval=-1.0 / N_E, maxval=1.0 / N_E, dtype=jnp.float32)
    return {"z": z, "W": W}

def reference(z, W):
    B, k, D = z.shape
    z_flat = z.reshape(-1, D)
    d = (z_flat ** 2).sum(axis=1, keepdims=True) + (W ** 2).sum(axis=1) - 2.0 * (z_flat @ W.T)
    indices = jnp.argmin(d, axis=1)
    z_q = jnp.take(W, indices, axis=0).reshape(B, k, D)
    z_r = z.reshape(B * k, D)
    z_q_r = z_q.reshape(B * k, D)
    commitment_loss = BETA * jnp.mean((z_r - jax.lax.stop_gradient(z_q_r)) ** 2)
    codebook_loss = jnp.mean((jax.lax.stop_gradient(z_r) - z_q_r) ** 2)
    loss = commitment_loss + codebook_loss
    z_q_st = z + jax.lax.stop_gradient(z_q - z)
    one_hot = jax.nn.one_hot(indices, N_E, dtype=jnp.float32)
    avg_probs = one_hot.mean(axis=0)
    perplexity = jnp.exp(-jnp.sum(avg_probs * jnp.log(avg_probs + 1e-10)))
    return (loss, z_q_st, perplexity, indices.reshape(B, k))

if __name__ == "__main__":
    import jax
    _d = setup_inputs()
    print(jax.jit(kernel)(*tuple(_d.values())))

</pallas_src>

<mosaic_0001>
#map = affine_map<(d0, d1) -> (0)>
#map1 = affine_map<(d0, d1) -> (0, 0)>
module attributes {stable_mosaic.version = 14 : i64} {
  func.func @_sc_gather_hist_body(%arg0: i32, %arg1: i32, %arg2: memref<36864xi32, #tpu.memory_space<hbm>>, %arg3: memref<8192x64xf32, #tpu.memory_space<hbm>>, %arg4: memref<36864x64xf32, #tpu.memory_space<hbm>>, %arg5: memref<32x8192xf32, #tpu.memory_space<hbm>>, %arg6: memref<1152xi32, #tpu.memory_space<vmem>>, %arg7: memref<128x64xf32, #tpu.memory_space<vmem>>, %arg8: memref<8192xf32, #tpu.memory_space<vmem>>, %arg9: memref<!tpu.dma_semaphore, #tpu.memory_space<semaphore_mem>>) attributes {dimension_semantics = [#tpu.dimension_semantics<core_parallel>, #tpu.dimension_semantics<subcore_parallel>], iteration_bounds = array<i64: 2, 16>, scalar_prefetch = 0 : i64, scratch_operands = 4 : i64, tpu.core_type = #tpu.core_type<sc_vector_subcore>, window_params = [{transform_indices = #map}, {transform_indices = #map1}, {transform_indices = #map1}, {transform_indices = #map1}]} {
    %mul3A = arith.constant 2 : i32
    %mul3A_0 = arith.muli %arg1, %mul3A : i32
    %add3A = arith.addi %mul3A_0, %arg0 : i32
    %mul3A_1 = arith.constant 1152 : i32
    %mul3A_2 = arith.muli %add3A, %mul3A_1 : i32
    "tpu.region"() ({
      %run_scoped3A = tpu.sem_alloc : memref<!tpu.dma_semaphore, #tpu.memory_space<semaphore_mem>>
      %dma_start3A_260 = tpu.memref_slice %arg2[%mul3A_2] : memref<36864xi32, #tpu.memory_space<hbm>> -> memref<1152xi32, #tpu.memory_space<hbm>>
      %dma_start3A_261 = tpu.memref_slice %arg2[%mul3A_2] : memref<36864xi32, #tpu.memory_space<hbm>> -> memref<1152xi32, #tpu.memory_space<hbm>>
      tpu.enqueue_dma source(%dma_start3A_261 : memref<1152xi32, #tpu.memory_space<hbm>>) target(%arg6 : memref<1152xi32, #tpu.memory_space<vmem>>) target_semaphore(%run_scoped3A : memref<!tpu.dma_semaphore, #tpu.memory_space<semaphore_mem>>)
      %dma_wait3A_262 = tpu.memref_slice %arg2[%mul3A_2] : memref<36864xi32, #tpu.memory_space<hbm>> -> memref<1152xi32, #tpu.memory_space<hbm>>
      %dma_wait3A_263 = tpu.memref_slice %arg2[%mul3A_2] : memref<36864xi32, #tpu.memory_space<hbm>> -> memref<1152xi32, #tpu.memory_space<hbm>>
      tpu.wait_dma2 semaphore(%run_scoped3A : memref<!tpu.dma_semaphore, #tpu.memory_space<semaphore_mem>>) src(%dma_wait3A_263 : memref<1152xi32, #tpu.memory_space<hbm>>) dst(%arg6 : memref<1152xi32, #tpu.memory_space<vmem>>)
      tpu.yield
    }) : () -> ()
    %broadcast_in_dim3A = arith.constant 0.000000e+00 : f32
    %broadcast_in_dim3A_3 = vector.broadcast %broadcast_in_dim3A : f32 to vector<16xf32>
    %scan3A = arith.constant 0 : i32
    %scan3A_4 = arith.constant 0 : i32
    %scan3A_5 = arith.constant 512 : i32
    %scan3A_6 = arith.addi %scan3A_4, %scan3A_5 : i32
    %scan3A_7 = arith.constant 1 : i32
    scf.for %scan3A_260 = %scan3A_4 to %scan3A_6 step %scan3A_7  : i32 {
      %mul3A_261 = arith.constant 16 : i32
      %mul3A_262 = arith.muli %scan3A_260, %mul3A_261 : i32
      %swap3A = arith.index_cast %mul3A_262 : i32 to index
      %swap3A_263 = tpu.vector_load %arg8[%swap3A] {strides = array<i32>} : memref<8192xf32, #tpu.memory_space<vmem>>, vector<16xf32>,
      tpu.vector_store %arg8[%swap3A], %broadcast_in_dim3A_3 {strides = array<i32>} : memref<8192xf32, #tpu.memory_space<vmem>>, vector<16xf32>,
    }
    %scan3A_8 = arith.constant 512 : i32
    %broadcast_in_dim3A_9 = arith.constant 1.000000e+00 : f32
    %broadcast_in_dim3A_10 = vector.broadcast %broadcast_in_dim3A_9 : f32 to vector<16xf32>
    %dma_start3A = arith.constant 0 : i32
    %dma_start3A_11 = tpu.memref_slice %arg6[%dma_start3A] : memref<1152xi32, #tpu.memory_space<vmem>> -> memref<128xi32, #tpu.memory_space<vmem>>
    %dma_start3A_12 = arith.constant 0 : i32
    %dma_start3A_13 = arith.constant 0 : i32
    %dma_start3A_14 = tpu.memref_slice %arg3[%dma_start3A_12, %dma_start3A_13] : memref<8192x64xf32, #tpu.memory_space<hbm>> -> memref<8192x64xf32, #tpu.memory_space<hbm>>
    tpu.enqueue_indirect_dma source(%dma_start3A_14 : memref<8192x64xf32, #tpu.memory_space<hbm>>) target(%arg7 : memref<128x64xf32, #tpu.memory_space<vmem>>) offsets(%dma_start3A_11 : memref<128xi32, #tpu.memory_space<vmem>>) semaphore(%arg9 : memref<!tpu.dma_semaphore, #tpu.memory_space<semaphore_mem>>)
    %dma_wait3A = arith.constant 0 : i32
    %dma_wait3A_15 = tpu.memref_slice %arg6[%dma_wait3A] : memref<1152xi32, #tpu.memory_space<vmem>> -> memref<128xi32, #tpu.memory_space<vmem>>
    %dma_wait3A_16 = arith.constant 0 : i32
    %dma_wait3A_17 = arith.constant 0 : i32
    %dma_wait3A_18 = tpu.memref_slice %arg3[%dma_wait3A_16, %dma_wait3A_17] : memref<8192x64xf32, #tpu.memory_space<hbm>> -> memref<8192x64xf32, #tpu.memory_space<hbm>>
    tpu.wait_indirect_dma semaphore(%arg9 : memref<!tpu.dma_semaphore, #tpu.memory_space<semaphore_mem>>) src(%dma_wait3A_18 : memref<8192x64xf32, #tpu.memory_space<hbm>>) dst(%arg7 : memref<128x64xf32, #tpu.memory_space<vmem>>)
    %add3A_19 = arith.constant 0 : i32
    %add3A_20 = arith.addi %mul3A_2, %add3A_19 : i32
    "tpu.region"() ({
      %run_scoped3A = tpu.sem_alloc : memref<!tpu.dma_semaphore, #tpu.memory_space<semaphore_mem>>
      %dma_start3A_260 = arith.constant 0 : i32
      %dma_start3A_261 = tpu.memref_slice %arg4[%add3A_20, %dma_start3A_260] : memref<36864x64xf32, #tpu.memory_space<hbm>> -> memref<128x64xf32, #tpu.memory_space<hbm>>
      %dma_start3A_262 = arith.constant 0 : i32
      %dma_start3A_263 = tpu.memref_slice %arg4[%add3A_20, %dma_start3A_262] : memref<36864x64xf32, #tpu.memory_space<hbm>> -> memref<128x64xf32, #tpu.memory_space<hbm>>
      tpu.enqueue_dma source(%arg7 : memref<128x64xf32, #tpu.memory_space<vmem>>) target(%dma_start3A_263 : memref<128x64xf32, #tpu.memory_space<hbm>>) target_semaphore(%run_scoped3A : memref<!tpu.dma_semaphore, #tpu.memory_space<semaphore_mem>>)
      %dma_wait3A_264 = arith.constant 0 : i32
      %dma_wait3A_265 = tpu.memref_slice %arg4[%add3A_20, %dma_wait3A_264] : memref<36864x64xf32, #tpu.memory_space<hbm>> -> memref<128x64xf32, #tpu.memory_space<hbm>>
      %dma_wait3A_266 = arith.constant 0 : i32
      %dma_wait3A_267 = tpu.memref_slice %arg4[%add3A_20, %dma_wait3A_266] : memref<36864x64xf32, #tpu.memory_space<hbm>> -> memref<128x64xf32, #tpu.memory_space<hbm>>
      tpu.wait_dma2 semaphore(%run_scoped3A : memref<!tpu.dma_semaphore, #tpu.memory_space<semaphore_mem>>) src(%arg7 : memref<128x64xf32, #tpu.memory_space<vmem>>) dst(%dma_wait3A_267 : memref<128x64xf32, #tpu.memory_space<hbm>>)
      tpu.yield
    }) : () -> ()
    %get3A = arith.constant 0 : index
    %get3A_21 = tpu.vector_load %arg6[%get3A] {strides = array<i32>} : memref<1152xi32, #tpu.memory_space<vmem>>, vector<16xi32>,
    tpu.vector_store_idx %arg8[%get3A_21], %broadcast_in_dim3A_10 {add = true} : memref<8192xf32, #tpu.memory_space<vmem>>[vector<16xi32>], vector<16xf32>,
    %get3A_22 = arith.constant 16 : index
    %get3A_23 = tpu.vector_load %arg6[%get3A_22] {strides = array<i32>} : memref<1152xi32, #tpu.memory_space<vmem>>, vector<16xi32>,
    tpu.vector_store_idx %arg8[%get3A_23], %broadcast_in_dim3A_10 {add = true} : memref<8192xf32, #tpu.memory_space<vmem>>[vector<16xi32>], vector<16xf32>,
    %get3A_24 = arith.constant 32 : index
    %get3A_25 = tpu.vector_load %arg6[%get3A_24] {strides = array<i32>} : memref<1152xi32, #tpu.memory_space<vmem>>, vector<16xi32>,
    tpu.vector_store_idx %arg8[%get3A_25], %broadcast_in_dim3A_10 {add = true} : memref<8192xf32, #tpu.memory_space<vmem>>[vector<16xi32>], vector<16xf32>,
    %get3A_26 = arith.constant 48 : index
    %get3A_27 = tpu.vector_load %arg6[%get3A_26] {strides = array<i32>} : memref<1152xi32, #tpu.memory_space<vmem>>, vector<16xi32>,
    tpu.vector_store_idx %arg8[%get3A_27], %broadcast_in_dim3A_10 {add = true} : memref<8192xf32, #tpu.memory_space<vmem>>[vector<16xi32>], vector<16xf32>,
    %get3A_28 = arith.constant 64 : index
    %get3A_29 = tpu.vector_load %arg6[%get3A_28] {strides = array<i32>} : memref<1152xi32, #tpu.memory_space<vmem>>, vector<16xi32>,
    tpu.vector_store_idx %arg8[%get3A_29], %broadcast_in_dim3A_10 {add = true} : memref<8192xf32, #tpu.memory_space<vmem>>[vector<16xi32>], vector<16xf32>,
    %get3A_30 = arith.constant 80 : index
    %get3A_31 = tpu.vector_load %arg6[%get3A_30] {strides = array<i32>} : memref<1152xi32, #tpu.memory_space<vmem>>, vector<16xi32>,
    tpu.vector_store_idx %arg8[%get3A_31], %broadcast_in_dim3A_10 {add = true} : memref<8192xf32, #tpu.memory_space<vmem>>[vector<16xi32>], vector<16xf32>,
    %get3A_32 = arith.constant 96 : index
    %get3A_33 = tpu.vector_load %arg6[%get3A_32] {strides = array<i32>} : memref<1152xi32, #tpu.memory_space<vmem>>, vector<16xi32>,
    tpu.vector_store_idx %arg8[%get3A_33], %broadcast_in_dim3A_10 {add = true} : memref<8192xf32, #tpu.memory_space<vmem>>[vector<16xi32>], vector<16xf32>,
    %get3A_34 = arith.constant 112 : index
    %get3A_35 = tpu.vector_load %arg6[%get3A_34] {strides = array<i32>} : memref<1152xi32, #tpu.memory_space<vmem>>, vector<16xi32>,
    tpu.vector_store_idx %arg8[%get3A_35], %broadcast_in_dim3A_10 {add = true} : memref<8192xf32, #tpu.memory_space<vmem>>[vector<16xi32>], vector<16xf32>,
    %dma_start3A_36 = arith.constant 128 : i32
    %dma_start3A_37 = tpu.memref_slice %arg6[%dma_start3A_36] : memref<1152xi32, #tpu.memory_space<vmem>> -> memref<128xi32, #tpu.memory_space<vmem>>
    %dma_start3A_38 = arith.constant 0 : i32
    %dma_start3A_39 = arith.constant 0 : i32
    %dma_start3A_40 = tpu.memref_slice %arg3[%dma_start3A_38, %dma_start3A_39] : memref<8192x64xf32, #tpu.memory_space<hbm>> -> memref<8192x64xf32, #tpu.memory_space<hbm>>
    tpu.enqueue_indirect_dma source(%dma_start3A_40 : memref<8192x64xf32, #tpu.memory_space<hbm>>) target(%arg7 : memref<128x64xf32, #tpu.memory_space<vmem>>) offsets(%dma_start3A_37 : memref<128xi32, #tpu.memory_space<vmem>>) semaphore(%arg9 : memref<!tpu.dma_semaphore, #tpu.memory_space<semaphore_mem>>)
    %dma_wait3A_41 = arith.constant 128 : i32
    %dma_wait3A_42 = tpu.memref_slice %arg6[%dma_wait3A_41] : memref<1152xi32, #tpu.memory_space<vmem>> -> memref<128xi32, #tpu.memory_space<vmem>>
    %dma_wait3A_43 = arith.constant 0 : i32
    %dma_wait3A_44 = arith.constant 0 : i32
    %dma_wait3A_45 = tpu.memref_slice %arg3[%dma_wait3A_43, %dma_wait3A_44] : memref<8192x64xf32, #tpu.memory_space<hbm>> -> memref<8192x64xf32, #tpu.memory_space<hbm>>
    tpu.wait_indirect_dma semaphore(%arg9 : memref<!tpu.dma_semaphore, #tpu.memory_space<semaphore_mem>>) src(%dma_wait3A_45 : memref<8192x64xf32, #tpu.memory_space<hbm>>) dst(%arg7 : memref<128x64xf32, #tpu.memory_space<vmem>>)
    %add3A_46 = arith.constant 128 : i32
    %add3A_47 = arith.addi %mul3A_2, %add3A_46 : i32
    "tpu.region"() ({
      %run_scoped3A = tpu.sem_alloc : memref<!tpu.dma_semaphore, #tpu.memory_space<semaphore_mem>>
      %dma_start3A_260 = arith.constant 0 : i32
      %dma_start3A_261 = tpu.memref_slice %arg4[%add3A_47, %dma_start3A_260] : memref<36864x64xf32, #tpu.memory_space<hbm>> -> memref<128x64xf32, #tpu.memory_space<hbm>>
      %dma_start3A_262 = arith.constant 0 : i32
      %dma_start3A_263 = tpu.memref_slice %arg4[%add3A_47, %dma_start3A_262] : memref<36864x64xf32, #tpu.memory_space<hbm>> -> memref<128x64xf32, #tpu.memory_space<hbm>>
      tpu.enqueue_dma source(%arg7 : memref<128x64xf32, #tpu.memory_space<vmem>>) target(%dma_start3A_263 : memref<128x64xf32, #tpu.memory_space<hbm>>) target_semaphore(%run_scoped3A : memref<!tpu.dma_semaphore, #tpu.memory_space<semaphore_mem>>)
      %dma_wait3A_264 = arith.constant 0 : i32
      %dma_wait3A_265 = tpu.memref_slice %arg4[%add3A_47, %dma_wait3A_264] : memref<36864x64xf32, #tpu.memory_space<hbm>> -> memref<128x64xf32, #tpu.memory_space<hbm>>
      %dma_wait3A_266 = arith.constant 0 : i32
      %dma_wait3A_267 = tpu.memref_slice %arg4[%add3A_47, %dma_wait3A_266] : memref<36864x64xf32, #tpu.memory_space<hbm>> -> memref<128x64xf32, #tpu.memory_space<hbm>>
      tpu.wait_dma2 semaphore(%run_scoped3A : memref<!tpu.dma_semaphore, #tpu.memory_space<semaphore_mem>>) src(%arg7 : memref<128x64xf32, #tpu.memory_space<vmem>>) dst(%dma_wait3A_267 : memref<128x64xf32, #tpu.memory_space<hbm>>)
      tpu.yield
    }) : () -> ()
    %get3A_48 = arith.constant 128 : index
    %get3A_49 = tpu.vector_load %arg6[%get3A_48] {strides = array<i32>} : memref<1152xi32, #tpu.memory_space<vmem>>, vector<16xi32>,
    tpu.vector_store_idx %arg8[%get3A_49], %broadcast_in_dim3A_10 {add = true} : memref<8192xf32, #tpu.memory_space<vmem>>[vector<16xi32>], vector<16xf32>,
    %get3A_50 = arith.constant 144 : index
    %get3A_51 = tpu.vector_load %arg6[%get3A_50] {strides = array<i32>} : memref<1152xi32, #tpu.memory_space<vmem>>, vector<16xi32>,
    tpu.vector_store_idx %arg8[%get3A_51], %broadcast_in_dim3A_10 {add = true} : memref<8192xf32, #tpu.memory_space<vmem>>[vector<16xi32>], vector<16xf32>,
    %get3A_52 = arith.constant 160 : index
    %get3A_53 = tpu.vector_load %arg6[%get3A_52] {strides = array<i32>} : memref<1152xi32, #tpu.memory_space<vmem>>, vector<16xi32>,
    tpu.vector_store_idx %arg8[%get3A_53], %broadcast_in_dim3A_10 {add = true} : memref<8192xf32, #tpu.memory_space<vmem>>[vector<16xi32>], vector<16xf32>,
    %get3A_54 = arith.constant 176 : index
    %get3A_55 = tpu.vector_load %arg6[%get3A_54] {strides = array<i32>} : memref<1152xi32, #tpu.memory_space<vmem>>, vector<16xi32>,
    tpu.vector_store_idx %arg8[%get3A_55], %broadcast_in_dim3A_10 {add = true} : memref<8192xf32, #tpu.memory_space<vmem>>[vector<16xi32>], vector<16xf32>,
    %get3A_56 = arith.constant 192 : index
    %get3A_57 = tpu.vector_load %arg6[%get3A_56] {strides = array<i32>} : memref<1152xi32, #tpu.memory_space<vmem>>, vector<16xi32>,
    tpu.vector_store_idx %arg8[%get3A_57], %broadcast_in_dim3A_10 {add = true} : memref<8192xf32, #tpu.memory_space<vmem>>[vector<16xi32>], vector<16xf32>,
    %get3A_58 = arith.constant 208 : index
    %get3A_59 = tpu.vector_load %arg6[%get3A_58] {strides = array<i32>} : memref<1152xi32, #tpu.memory_space<vmem>>, vector<16xi32>,
    tpu.vector_store_idx %arg8[%get3A_59], %broadcast_in_dim3A_10 {add = true} : memref<8192xf32, #tpu.memory_space<vmem>>[vector<16xi32>], vector<16xf32>,
    %get3A_60 = arith.constant 224 : index
    %get3A_61 = tpu.vector_load %arg6[%get3A_60] {strides = array<i32>} : memref<1152xi32, #tpu.memory_space<vmem>>, vector<16xi32>,
    tpu.vector_store_idx %arg8[%get3A_61], %broadcast_in_dim3A_10 {add = true} : memref<8192xf32, #tpu.memory_space<vmem>>[vector<16xi32>], vector<16xf32>,
    %get3A_62 = arith.constant 240 : index
    %get3A_63 = tpu.vector_load %arg6[%get3A_62] {strides = array<i32>} : memref<1152xi32, #tpu.memory_space<vmem>>, vector<16xi32>,
    tpu.vector_store_idx %arg8[%get3A_63], %broadcast_in_dim3A_10 {add = true} : memref<8192xf32, #tpu.memory_space<vmem>>[vector<16xi32>], vector<16xf32>,
    %dma_start3A_64 = arith.constant 256 : i32
    %dma_start3A_65 = tpu.memref_slice %arg6[%dma_start3A_64] : memref<1152xi32, #tpu.memory_space<vmem>> -> memref<128xi32, #tpu.memory_space<vmem>>
    %dma_start3A_66 = arith.constant 0 : i32
    %dma_start3A_67 = arith.constant 0 : i32
    %dma_start3A_68 = tpu.memref_slice %arg3[%dma_start3A_66, %dma_start3A_67] : memref<8192x64xf32, #tpu.memory_space<hbm>> -> memref<8192x64xf32, #tpu.memory_space<hbm>>
    tpu.enqueue_indirect_dma source(%dma_start3A_68 : memref<8192x64xf32, #tpu.memory_space<hbm>>) target(%arg7 : memref<128x64xf32, #tpu.memory_space<vmem>>) offsets(%dma_start3A_65 : memref<128xi32, #tpu.memory_space<vmem>>) semaphore(%arg9 : memref<!tpu.dma_semaphore, #tpu.memory_space<semaphore_mem>>)
    %dma_wait3A_69 = arith.constant 256 : i32
    %dma_wait3A_70 = tpu.memref_slice %arg6[%dma_wait3A_69] : memref<1152xi32, #tpu.memory_space<vmem>> -> memref<128xi32, #tpu.memory_space<vmem>>
    %dma_wait3A_71 = arith.constant 0 : i32
    %dma_wait3A_72 = arith.constant 0 : i32
    %dma_wait3A_73 = tpu.memref_slice %arg3[%dma_wait3A_71, %dma_wait3A_72] : memref<8192x64xf32, #tpu.memory_space<hbm>> -> memref<8192x64xf32, #tpu.memory_space<hbm>>
    tpu.wait_indirect_dma semaphore(%arg9 : memref<!tpu.dma_semaphore, #tpu.memory_space<semaphore_mem>>) src(%dma_wait3A_73 : memref<8192x64xf32, #tpu.memory_space<hbm>>) dst(%arg7 : memref<128x64xf32, #tpu.memory_space<vmem>>)
    %add3A_74 = arith.constant 256 : i32
    %add3A_75 = arith.addi %mul3A_2, %add3A_74 : i32
    "tpu.region"() ({
      %run_scoped3A = tpu.sem_alloc : memref<!tpu.dma_semaphore, #tpu.memory_space<semaphore_mem>>
      %dma_start3A_260 = arith.constant 0 : i32
      %dma_start3A_261 = tpu.memref_slice %arg4[%add3A_75, %dma_start3A_260] : memref<36864x64xf32, #tpu.memory_space<hbm>> -> memref<128x64xf32, #tpu.memory_space<hbm>>
      %dma_start3A_262 = arith.constant 0 : i32
      %dma_start3A_263 = tpu.memref_slice %arg4[%add3A_75, %dma_start3A_262] : memref<36864x64xf32, #tpu.memory_space<hbm>> -> memref<128x64xf32, #tpu.memory_space<hbm>>
      tpu.enqueue_dma source(%arg7 : memref<128x64xf32, #tpu.memory_space<vmem>>) target(%dma_start3A_263 : memref<128x64xf32, #tpu.memory_space<hbm>>) target_semaphore(%run_scoped3A : memref<!tpu.dma_semaphore, #tpu.memory_space<semaphore_mem>>)
      %dma_wait3A_264 = arith.constant 0 : i32
      %dma_wait3A_265 = tpu.memref_slice %arg4[%add3A_75, %dma_wait3A_264] : memref<36864x64xf32, #tpu.memory_space<hbm>> -> memref<128x64xf32, #tpu.memory_space<hbm>>
      %dma_wait3A_266 = arith.constant 0 : i32
      %dma_wait3A_267 = tpu.memref_slice %arg4[%add3A_75, %dma_wait3A_266] : memref<36864x64xf32, #tpu.memory_space<hbm>> -> memref<128x64xf32, #tpu.memory_space<hbm>>
      tpu.wait_dma2 semaphore(%run_scoped3A : memref<!tpu.dma_semaphore, #tpu.memory_space<semaphore_mem>>) src(%arg7 : memref<128x64xf32, #tpu.memory_space<vmem>>) dst(%dma_wait3A_267 : memref<128x64xf32, #tpu.memory_space<hbm>>)
      tpu.yield
    }) : () -> ()
    %get3A_76 = arith.constant 256 : index
    %get3A_77 = tpu.vector_load %arg6[%get3A_76] {strides = array<i32>} : memref<1152xi32, #tpu.memory_space<vmem>>, vector<16xi32>,
    tpu.vector_store_idx %arg8[%get3A_77], %broadcast_in_dim3A_10 {add = true} : memref<8192xf32, #tpu.memory_space<vmem>>[vector<16xi32>], vector<16xf32>,
    %get3A_78 = arith.constant 272 : index
    %get3A_79 = tpu.vector_load %arg6[%get3A_78] {strides = array<i32>} : memref<1152xi32, #tpu.memory_space<vmem>>, vector<16xi32>,
    tpu.vector_store_idx %arg8[%get3A_79], %broadcast_in_dim3A_10 {add = true} : memref<8192xf32, #tpu.memory_space<vmem>>[vector<16xi32>], vector<16xf32>,
    %get3A_80 = arith.constant 288 : index
    %get3A_81 = tpu.vector_load %arg6[%get3A_80] {strides = array<i32>} : memref<1152xi32, #tpu.memory_space<vmem>>, vector<16xi32>,
    tpu.vector_store_idx %arg8[%get3A_81], %broadcast_in_dim3A_10 {add = true} : memref<8192xf32, #tpu.memory_space<vmem>>[vector<16xi32>], vector<16xf32>,
    %get3A_82 = arith.constant 304 : index
    %get3A_83 = tpu.vector_load %arg6[%get3A_82] {strides = array<i32>} : memref<1152xi32, #tpu.memory_space<vmem>>, vector<16xi32>,
    tpu.vector_store_idx %arg8[%get3A_83], %broadcast_in_dim3A_10 {add = true} : memref<8192xf32, #tpu.memory_space<vmem>>[vector<16xi32>], vector<16xf32>,
    %get3A_84 = arith.constant 320 : index
    %get3A_85 = tpu.vector_load %arg6[%get3A_84] {strides = array<i32>} : memref<1152xi32, #tpu.memory_space<vmem>>, vector<16xi32>,
    tpu.vector_store_idx %arg8[%get3A_85], %broadcast_in_dim3A_10 {add = true} : memref<8192xf32, #tpu.memory_space<vmem>>[vector<16xi32>], vector<16xf32>,
    %get3A_86 = arith.constant 336 : index
    %get3A_87 = tpu.vector_load %arg6[%get3A_86] {strides = array<i32>} : memref<1152xi32, #tpu.memory_space<vmem>>, vector<16xi32>,
    tpu.vector_store_idx %arg8[%get3A_87], %broadcast_in_dim3A_10 {add = true} : memref<8192xf32, #tpu.memory_space<vmem>>[vector<16xi32>], vector<16xf32>,
    %get3A_88 = arith.constant 352 : index
    %get3A_89 = tpu.vector_load %arg6[%get3A_88] {strides = array<i32>} : memref<1152xi32, #tpu.memory_space<vmem>>, vector<16xi32>,
    tpu.vector_store_idx %arg8[%get3A_89], %broadcast_in_dim3A_10 {add = true} : memref<8192xf32, #tpu.memory_space<vmem>>[vector<16xi32>], vector<16xf32>,
    %get3A_90 = arith.constant 368 : index
    %get3A_91 = tpu.vector_load %arg6[%get3A_90] {strides = array<i32>} : memref<1152xi32, #tpu.memory_space<vmem>>, vector<16xi32>,
    tpu.vector_store_idx %arg8[%get3A_91], %broadcast_in_dim3A_10 {add = true} : memref<8192xf32, #tpu.memory_space<vmem>>[vector<16xi32>], vector<16xf32>,
    %dma_start3A_92 = arith.constant 384 : i32
    %dma_start3A_93 = tpu.memref_slice %arg6[%dma_start3A_92] : memref<1152xi32, #tpu.memory_space<vmem>> -> memref<128xi32, #tpu.memory_space<vmem>>
    %dma_start3A_94 = arith.constant 0 : i32
    %dma_start3A_95 = arith.constant 0 : i32
    %dma_start3A_96 = tpu.memref_slice %arg3[%dma_start3A_94, %dma_start3A_95] : memref<8192x64xf32, #tpu.memory_space<hbm>> -> memref<8192x64xf32, #tpu.memory_space<hbm>>
    tpu.enqueue_indirect_dma source(%dma_start3A_96 : memref<8192x64xf32, #tpu.memory_space<hbm>>) target(%arg7 : memref<128x64xf32, #tpu.memory_space<vmem>>) offsets(%dma_start3A_93 : memref<128xi32, #tpu.memory_space<vmem>>) semaphore(%arg9 : memref<!tpu.dma_semaphore, #tpu.memory_space<semaphore_mem>>)
    %dma_wait3A_97 = arith.constant 384 : i32
    %dma_wait3A_98 = tpu.memref_slice %arg6[%dma_wait3A_97] : memref<1152xi32, #tpu.memory_space<vmem>> -> memref<128xi32, #tpu.memory_space<vmem>>
    %dma_wait3A_99 = arith.constant 0 : i32
    %dma_wait3A_100 = arith.constant 0 : i32
    %dma_wait3A_101 = tpu.memref_slice %arg3[%dma_wait3A_99, %dma_wait3A_100] : memref<8192x64xf32, #tpu.memory_space<hbm>> -> memref<8192x64xf32, #tpu.memory_space<hbm>>
    tpu.wait_indirect_dma semaphore(%arg9 : memref<!tpu.dma_semaphore, #tpu.memory_space<semaphore_mem>>) src(%dma_wait3A_101 : memref<8192x64xf32, #tpu.memory_space<hbm>>) dst(%arg7 : memref<128x64xf32, #tpu.memory_space<vmem>>)
    %add3A_102 = arith.constant 384 : i32
    %add3A_103 = arith.addi %mul3A_2, %add3A_102 : i32
    "tpu.region"() ({
      %run_scoped3A = tpu.sem_alloc : memref<!tpu.dma_semaphore, #tpu.memory_space<semaphore_mem>>
      %dma_start3A_260 = arith.constant 0 : i32
      %dma_start3A_261 = tpu.memref_slice %arg4[%add3A_103, %dma_start3A_260] : memref<36864x64xf32, #tpu.memory_space<hbm>> -> memref<128x64xf32, #tpu.memory_space<hbm>>
      %dma_start3A_262 = arith.constant 0 : i32
      %dma_start3A_263 = tpu.memref_slice %arg4[%add3A_103, %dma_start3A_262] : memref<36864x64xf32, #tpu.memory_space<hbm>> -> memref<128x64xf32, #tpu.memory_space<hbm>>
      tpu.enqueue_dma source(%arg7 : memref<128x64xf32, #tpu.memory_space<vmem>>) target(%dma_start3A_263 : memref<128x64xf32, #tpu.memory_space<hbm>>) target_semaphore(%run_scoped3A : memref<!tpu.dma_semaphore, #tpu.memory_space<semaphore_mem>>)
      %dma_wait3A_264 = arith.constant 0 : i32
      %dma_wait3A_265 = tpu.memref_slice %arg4[%add3A_103, %dma_wait3A_264] : memref<36864x64xf32, #tpu.memory_space<hbm>> -> memref<128x64xf32, #tpu.memory_space<hbm>>
      %dma_wait3A_266 = arith.constant 0 : i32
      %dma_wait3A_267 = tpu.memref_slice %arg4[%add3A_103, %dma_wait3A_266] : memref<36864x64xf32, #tpu.memory_space<hbm>> -> memref<128x64xf32, #tpu.memory_space<hbm>>
      tpu.wait_dma2 semaphore(%run_scoped3A : memref<!tpu.dma_semaphore, #tpu.memory_space<semaphore_mem>>) src(%arg7 : memref<128x64xf32, #tpu.memory_space<vmem>>) dst(%dma_wait3A_267 : memref<128x64xf32, #tpu.memory_space<hbm>>)
      tpu.yield
    }) : () -> ()
    %get3A_104 = arith.constant 384 : index
    %get3A_105 = tpu.vector_load %arg6[%get3A_104] {strides = array<i32>} : memref<1152xi32, #tpu.memory_space<vmem>>, vector<16xi32>,
    tpu.vector_store_idx %arg8[%get3A_105], %broadcast_in_dim3A_10 {add = true} : memref<8192xf32, #tpu.memory_space<vmem>>[vector<16xi32>], vector<16xf32>,
    %get3A_106 = arith.constant 400 : index
    %get3A_107 = tpu.vector_load %arg6[%get3A_106] {strides = array<i32>} : memref<1152xi32, #tpu.memory_space<vmem>>, vector<16xi32>,
    tpu.vector_store_idx %arg8[%get3A_107], %broadcast_in_dim3A_10 {add = true} : memref<8192xf32, #tpu.memory_space<vmem>>[vector<16xi32>], vector<16xf32>,
    %get3A_108 = arith.constant 416 : index
    %get3A_109 = tpu.vector_load %arg6[%get3A_108] {strides = array<i32>} : memref<1152xi32, #tpu.memory_space<vmem>>, vector<16xi32>,
    tpu.vector_store_idx %arg8[%get3A_109], %broadcast_in_dim3A_10 {add = true} : memref<8192xf32, #tpu.memory_space<vmem>>[vector<16xi32>], vector<16xf32>,
    %get3A_110 = arith.constant 432 : index
    %get3A_111 = tpu.vector_load %arg6[%get3A_110] {strides = array<i32>} : memref<1152xi32, #tpu.memory_space<vmem>>, vector<16xi32>,
    tpu.vector_store_idx %arg8[%get3A_111], %broadcast_in_dim3A_10 {add = true} : memref<8192xf32, #tpu.memory_space<vmem>>[vector<16xi32>], vector<16xf32>,
    %get3A_112 = arith.constant 448 : index
    %get3A_113 = tpu.vector_load %arg6[%get3A_112] {strides = array<i32>} : memref<1152xi32, #tpu.memory_space<vmem>>, vector<16xi32>,
    tpu.vector_store_idx %arg8[%get3A_113], %broadcast_in_dim3A_10 {add = true} : memref<8192xf32, #tpu.memory_space<vmem>>[vector<16xi32>], vector<16xf32>,
    %get3A_114 = arith.constant 464 : index
    %get3A_115 = tpu.vector_load %arg6[%get3A_114] {strides = array<i32>} : memref<1152xi32, #tpu.memory_space<vmem>>, vector<16xi32>,
    tpu.vector_store_idx %arg8[%get3A_115], %broadcast_in_dim3A_10 {add = true} : memref<8192xf32, #tpu.memory_space<vmem>>[vector<16xi32>], vector<16xf32>,
    %get3A_116 = arith.constant 480 : index
    %get3A_117 = tpu.vector_load %arg6[%get3A_116] {strides = array<i32>} : memref<1152xi32, #tpu.memory_space<vmem>>, vector<16xi32>,
    tpu.vector_store_idx %arg8[%get3A_117], %broadcast_in_dim3A_10 {add = true} : memref<8192xf32, #tpu.memory_space<vmem>>[vector<16xi32>], vector<16xf32>,
    %get3A_118 = arith.constant 496 : index
    %get3A_119 = tpu.vector_load %arg6[%get3A_118] {strides = array<i32>} : memref<1152xi32, #tpu.memory_space<vmem>>, vector<16xi32>,
    tpu.vector_store_idx %arg8[%get3A_119], %broadcast_in_dim3A_10 {add = true} : memref<8192xf32, #tpu.memory_space<vmem>>[vector<16xi32>], vector<16xf32>,
    %dma_start3A_120 = arith.constant 512 : i32
    %dma_start3A_121 = tpu.memref_slice %arg6[%dma_start3A_120] : memref<1152xi32, #tpu.memory_space<vmem>> -> memref<128xi32, #tpu.memory_space<vmem>>
    %dma_start3A_122 = arith.constant 0 : i32
    %dma_start3A_123 = arith.constant 0 : i32
    %dma_start3A_124 = tpu.memref_slice %arg3[%dma_start3A_122, %dma_start3A_123] : memref<8192x64xf32, #tpu.memory_space<hbm>> -> memref<8192x64xf32, #tpu.memory_space<hbm>>
    tpu.enqueue_indirect_dma source(%dma_start3A_124 : memref<8192x64xf32, #tpu.memory_space<hbm>>) target(%arg7 : memref<128x64xf32, #tpu.memory_space<vmem>>) offsets(%dma_start3A_121 : memref<128xi32, #tpu.memory_space<vmem>>) semaphore(%arg9 : memref<!tpu.dma_semaphore, #tpu.memory_space<semaphore_mem>>)
    %dma_wait3A_125 = arith.constant 512 : i32
    %dma_wait3A_126 = tpu.memref_slice %arg6[%dma_wait3A_125] : memref<1152xi32, #tpu.memory_space<vmem>> -> memref<128xi32, #tpu.memory_space<vmem>>
    %dma_wait3A_127 = arith.constant 0 : i32
    %dma_wait3A_128 = arith.constant 0 : i32
    %dma_wait3A_129 = tpu.memref_slice %arg3[%dma_wait3A_127, %dma_wait3A_128] : memref<8192x64xf32, #tpu.memory_space<hbm>> -> memref<8192x64xf32, #tpu.memory_space<hbm>>
    tpu.wait_indirect_dma semaphore(%arg9 : memref<!tpu.dma_semaphore, #tpu.memory_space<semaphore_mem>>) src(%dma_wait3A_129 : memref<8192x64xf32, #tpu.memory_space<hbm>>) dst(%arg7 : memref<128x64xf32, #tpu.memory_space<vmem>>)
    %add3A_130 = arith.constant 512 : i32
    %add3A_131 = arith.addi %mul3A_2, %add3A_130 : i32
    "tpu.region"() ({
      %run_scoped3A = tpu.sem_alloc : memref<!tpu.dma_semaphore, #tpu.memory_space<semaphore_mem>>
      %dma_start3A_260 = arith.constant 0 : i32
      %dma_start3A_261 = tpu.memref_slice %arg4[%add3A_131, %dma_start3A_260] : memref<36864x64xf32, #tpu.memory_space<hbm>> -> memref<128x64xf32, #tpu.memory_space<hbm>>
      %dma_start3A_262 = arith.constant 0 : i32
      %dma_start3A_263 = tpu.memref_slice %arg4[%add3A_131, %dma_start3A_262] : memref<36864x64xf32, #tpu.memory_space<hbm>> -> memref<128x64xf32, #tpu.memory_space<hbm>>
      tpu.enqueue_dma source(%arg7 : memref<128x64xf32, #tpu.memory_space<vmem>>) target(%dma_start3A_263 : memref<128x64xf32, #tpu.memory_space<hbm>>) target_semaphore(%run_scoped3A : memref<!tpu.dma_semaphore, #tpu.memory_space<semaphore_mem>>)
      %dma_wait3A_264 = arith.constant 0 : i32
      %dma_wait3A_265 = tpu.memref_slice %arg4[%add3A_131, %dma_wait3A_264] : memref<36864x64xf32, #tpu.memory_space<hbm>> -> memref<128x64xf32, #tpu.memory_space<hbm>>
      %dma_wait3A_266 = arith.constant 0 : i32
      %dma_wait3A_267 = tpu.memref_slice %arg4[%add3A_131, %dma_wait3A_266] : memref<36864x64xf32, #tpu.memory_space<hbm>> -> memref<128x64xf32, #tpu.memory_space<hbm>>
      tpu.wait_dma2 semaphore(%run_scoped3A : memref<!tpu.dma_semaphore, #tpu.memory_space<semaphore_mem>>) src(%arg7 : memref<128x64xf32, #tpu.memory_space<vmem>>) dst(%dma_wait3A_267 : memref<128x64xf32, #tpu.memory_space<hbm>>)
      tpu.yield
    }) : () -> ()
    %get3A_132 = arith.constant 512 : index
    %get3A_133 = tpu.vector_load %arg6[%get3A_132] {strides = array<i32>} : memref<1152xi32, #tpu.memory_space<vmem>>, vector<16xi32>,
    tpu.vector_store_idx %arg8[%get3A_133], %broadcast_in_dim3A_10 {add = true} : memref<8192xf32, #tpu.memory_space<vmem>>[vector<16xi32>], vector<16xf32>,
    %get3A_134 = arith.constant 528 : index
    %get3A_135 = tpu.vector_load %arg6[%get3A_134] {strides = array<i32>} : memref<1152xi32, #tpu.memory_space<vmem>>, vector<16xi32>,
    tpu.vector_store_idx %arg8[%get3A_135], %broadcast_in_dim3A_10 {add = true} : memref<8192xf32, #tpu.memory_space<vmem>>[vector<16xi32>], vector<16xf32>,
    %get3A_136 = arith.constant 544 : index
    %get3A_137 = tpu.vector_load %arg6[%get3A_136] {strides = array<i32>} : memref<1152xi32, #tpu.memory_space<vmem>>, vector<16xi32>,
    tpu.vector_store_idx %arg8[%get3A_137], %broadcast_in_dim3A_10 {add = true} : memref<8192xf32, #tpu.memory_space<vmem>>[vector<16xi32>], vector<16xf32>,
    %get3A_138 = arith.constant 560 : index
    %get3A_139 = tpu.vector_load %arg6[%get3A_138] {strides = array<i32>} : memref<1152xi32, #tpu.memory_space<vmem>>, vector<16xi32>,
    tpu.vector_store_idx %arg8[%get3A_139], %broadcast_in_dim3A_10 {add = true} : memref<8192xf32, #tpu.memory_space<vmem>>[vector<16xi32>], vector<16xf32>,
    %get3A_140 = arith.constant 576 : index
    %get3A_141 = tpu.vector_load %arg6[%get3A_140] {strides = array<i32>} : memref<1152xi32, #tpu.memory_space<vmem>>, vector<16xi32>,
    tpu.vector_store_idx %arg8[%get3A_141], %broadcast_in_dim3A_10 {add = true} : memref<8192xf32, #tpu.memory_space<vmem>>[vector<16xi32>], vector<16xf32>,
    %get3A_142 = arith.constant 592 : index
    %get3A_143 = tpu.vector_load %arg6[%get3A_142] {strides = array<i32>} : memref<1152xi32, #tpu.memory_space<vmem>>, vector<16xi32>,
    tpu.vector_store_idx %arg8[%get3A_143], %broadcast_in_dim3A_10 {add = true} : memref<8192xf32, #tpu.memory_space<vmem>>[vector<16xi32>], vector<16xf32>,
    %get3A_144 = arith.constant 608 : index
    %get3A_145 = tpu.vector_load %arg6[%get3A_144] {strides = array<i32>} : memref<1152xi32, #tpu.memory_space<vmem>>, vector<16xi32>,
    tpu.vector_store_idx %arg8[%get3A_145], %broadcast_in_dim3A_10 {add = true} : memref<8192xf32, #tpu.memory_space<vmem>>[vector<16xi32>], vector<16xf32>,
    %get3A_146 = arith.constant 624 : index
    %get3A_147 = tpu.vector_load %arg6[%get3A_146] {strides = array<i32>} : memref<1152xi32, #tpu.memory_space<vmem>>, vector<16xi32>,
    tpu.vector_store_idx %arg8[%get3A_147], %broadcast_in_dim3A_10 {add = true} : memref<8192xf32, #tpu.memory_space<vmem>>[vector<16xi32>], vector<16xf32>,
    %dma_start3A_148 = arith.constant 640 : i32
    %dma_start3A_149 = tpu.memref_slice %arg6[%dma_start3A_148] : memref<1152xi32, #tpu.memory_space<vmem>> -> memref<128xi32, #tpu.memory_space<vmem>>
    %dma_start3A_150 = arith.constant 0 : i32
    %dma_start3A_151 = arith.constant 0 : i32
    %dma_start3A_152 = tpu.memref_slice %arg3[%dma_start3A_150, %dma_start3A_151] : memref<8192x64xf32, #tpu.memory_space<hbm>> -> memref<8192x64xf32, #tpu.memory_space<hbm>>
    tpu.enqueue_indirect_dma source(%dma_start3A_152 : memref<8192x64xf32, #tpu.memory_space<hbm>>) target(%arg7 : memref<128x64xf32, #tpu.memory_space<vmem>>) offsets(%dma_start3A_149 : memref<128xi32, #tpu.memory_space<vmem>>) semaphore(%arg9 : memref<!tpu.dma_semaphore, #tpu.memory_space<semaphore_mem>>)
    %dma_wait3A_153 = arith.constant 640 : i32
    %dma_wait3A_154 = tpu.memref_slice %arg6[%dma_wait3A_153] : memref<1152xi32, #tpu.memory_space<vmem>> -> memref<128xi32, #tpu.memory_space<vmem>>
    %dma_wait3A_155 = arith.constant 0 : i32
    %dma_wait3A_156 = arith.constant 0 : i32
    %dma_wait3A_157 = tpu.memref_slice %arg3[%dma_wait3A_155, %dma_wait3A_156] : memref<8192x64xf32, #tpu.memory_space<hbm>> -> memref<8192x64xf32, #tpu.memory_space<hbm>>
    tpu.wait_indirect_dma semaphore(%arg9 : memref<!tpu.dma_semaphore, #tpu.memory_space<semaphore_mem>>) src(%dma_wait3A_157 : memref<8192x64xf32, #tpu.memory_space<hbm>>) dst(%arg7 : memref<128x64xf32, #tpu.memory_space<vmem>>)
    %add3A_158 = arith.constant 640 : i32
    %add3A_159 = arith.addi %mul3A_2, %add3A_158 : i32
    "tpu.region"() ({
      %run_scoped3A = tpu.sem_alloc : memref<!tpu.dma_semaphore, #tpu.memory_space<semaphore_mem>>
      %dma_start3A_260 = arith.constant 0 : i32
      %dma_start3A_261 = tpu.memref_slice %arg4[%add3A_159, %dma_start3A_260] : memref<36864x64xf32, #tpu.memory_space<hbm>> -> memref<128x64xf32, #tpu.memory_space<hbm>>
      %dma_start3A_262 = arith.constant 0 : i32
      %dma_start3A_263 = tpu.memref_slice %arg4[%add3A_159, %dma_start3A_262] : memref<36864x64xf32, #tpu.memory_space<hbm>> -> memref<128x64xf32, #tpu.memory_space<hbm>>
      tpu.enqueue_dma source(%arg7 : memref<128x64xf32, #tpu.memory_space<vmem>>) target(%dma_start3A_263 : memref<128x64xf32, #tpu.memory_space<hbm>>) target_semaphore(%run_scoped3A : memref<!tpu.dma_semaphore, #tpu.memory_space<semaphore_mem>>)
      %dma_wait3A_264 = arith.constant 0 : i32
      %dma_wait3A_265 = tpu.memref_slice %arg4[%add3A_159, %dma_wait3A_264] : memref<36864x64xf32, #tpu.memory_space<hbm>> -> memref<128x64xf32, #tpu.memory_space<hbm>>
      %dma_wait3A_266 = arith.constant 0 : i32
      %dma_wait3A_267 = tpu.memref_slice %arg4[%add3A_159, %dma_wait3A_266] : memref<36864x64xf32, #tpu.memory_space<hbm>> -> memref<128x64xf32, #tpu.memory_space<hbm>>
      tpu.wait_dma2 semaphore(%run_scoped3A : memref<!tpu.dma_semaphore, #tpu.memory_space<semaphore_mem>>) src(%arg7 : memref<128x64xf32, #tpu.memory_space<vmem>>) dst(%dma_wait3A_267 : memref<128x64xf32, #tpu.memory_space<hbm>>)
      tpu.yield
    }) : () -> ()
    %get3A_160 = arith.constant 640 : index
    %get3A_161 = tpu.vector_load %arg6[%get3A_160] {strides = array<i32>} : memref<1152xi32, #tpu.memory_space<vmem>>, vector<16xi32>,
    tpu.vector_store_idx %arg8[%get3A_161], %broadcast_in_dim3A_10 {add = true} : memref<8192xf32, #tpu.memory_space<vmem>>[vector<16xi32>], vector<16xf32>,
    %get3A_162 = arith.constant 656 : index
    %get3A_163 = tpu.vector_load %arg6[%get3A_162] {strides = array<i32>} : memref<1152xi32, #tpu.memory_space<vmem>>, vector<16xi32>,
    tpu.vector_store_idx %arg8[%get3A_163], %broadcast_in_dim3A_10 {add = true} : memref<8192xf32, #tpu.memory_space<vmem>>[vector<16xi32>], vector<16xf32>,
    %get3A_164 = arith.constant 672 : index
    %get3A_165 = tpu.vector_load %arg6[%get3A_164] {strides = array<i32>} : memref<1152xi32, #tpu.memory_space<vmem>>, vector<16xi32>,
    tpu.vector_store_idx %arg8[%get3A_165], %broadcast_in_dim3A_10 {add = true} : memref<8192xf32, #tpu.memory_space<vmem>>[vector<16xi32>], vector<16xf32>,
    %get3A_166 = arith.constant 688 : index
    %get3A_167 = tpu.vector_load %arg6[%get3A_166] {strides = array<i32>} : memref<1152xi32, #tpu.memory_space<vmem>>, vector<16xi32>,
    tpu.vector_store_idx %arg8[%get3A_167], %broadcast_in_dim3A_10 {add = true} : memref<8192xf32, #tpu.memory_space<vmem>>[vector<16xi32>], vector<16xf32>,
    %get3A_168 = arith.constant 704 : index
    %get3A_169 = tpu.vector_load %arg6[%get3A_168] {strides = array<i32>} : memref<1152xi32, #tpu.memory_space<vmem>>, vector<16xi32>,
    tpu.vector_store_idx %arg8[%get3A_169], %broadcast_in_dim3A_10 {add = true} : memref<8192xf32, #tpu.memory_space<vmem>>[vector<16xi32>], vector<16xf32>,
    %get3A_170 = arith.constant 720 : index
    %get3A_171 = tpu.vector_load %arg6[%get3A_170] {strides = array<i32>} : memref<1152xi32, #tpu.memory_space<vmem>>, vector<16xi32>,
    tpu.vector_store_idx %arg8[%get3A_171], %broadcast_in_dim3A_10 {add = true} : memref<8192xf32, #tpu.memory_space<vmem>>[vector<16xi32>], vector<16xf32>,
    %get3A_172 = arith.constant 736 : index
    %get3A_173 = tpu.vector_load %arg6[%get3A_172] {strides = array<i32>} : memref<1152xi32, #tpu.memory_space<vmem>>, vector<16xi32>,
    tpu.vector_store_idx %arg8[%get3A_173], %broadcast_in_dim3A_10 {add = true} : memref<8192xf32, #tpu.memory_space<vmem>>[vector<16xi32>], vector<16xf32>,
    %get3A_174 = arith.constant 752 : index
    %get3A_175 = tpu.vector_load %arg6[%get3A_174] {strides = array<i32>} : memref<1152xi32, #tpu.memory_space<vmem>>, vector<16xi32>,
    tpu.vector_store_idx %arg8[%get3A_175], %broadcast_in_dim3A_10 {add = true} : memref<8192xf32, #tpu.memory_space<vmem>>[vector<16xi32>], vector<16xf32>,
    %dma_start3A_176 = arith.constant 768 : i32
    %dma_start3A_177 = tpu.memref_slice %arg6[%dma_start3A_176] : memref<1152xi32, #tpu.memory_space<vmem>> -> memref<128xi32, #tpu.memory_space<vmem>>
    %dma_start3A_178 = arith.constant 0 : i32
    %dma_start3A_179 = arith.constant 0 : i32
    %dma_start3A_180 = tpu.memref_slice %arg3[%dma_start3A_178, %dma_start3A_179] : memref<8192x64xf32, #tpu.memory_space<hbm>> -> memref<8192x64xf32, #tpu.memory_space<hbm>>
    tpu.enqueue_indirect_dma source(%dma_start3A_180 : memref<8192x64xf32, #tpu.memory_space<hbm>>) target(%arg7 : memref<128x64xf32, #tpu.memory_space<vmem>>) offsets(%dma_start3A_177 : memref<128xi32, #tpu.memory_space<vmem>>) semaphore(%arg9 : memref<!tpu.dma_semaphore, #tpu.memory_space<semaphore_mem>>)
    %dma_wait3A_181 = arith.constant 768 : i32
    %dma_wait3A_182 = tpu.memref_slice %arg6[%dma_wait3A_181] : memref<1152xi32, #tpu.memory_space<vmem>> -> memref<128xi32, #tpu.memory_space<vmem>>
    %dma_wait3A_183 = arith.constant 0 : i32
    %dma_wait3A_184 = arith.constant 0 : i32
    %dma_wait3A_185 = tpu.memref_slice %arg3[%dma_wait3A_183, %dma_wait3A_184] : memref<8192x64xf32, #tpu.memory_space<hbm>> -> memref<8192x64xf32, #tpu.memory_space<hbm>>
    tpu.wait_indirect_dma semaphore(%arg9 : memref<!tpu.dma_semaphore, #tpu.memory_space<semaphore_mem>>) src(%dma_wait3A_185 : memref<8192x64xf32, #tpu.memory_space<hbm>>) dst(%arg7 : memref<128x64xf32, #tpu.memory_space<vmem>>)
    %add3A_186 = arith.constant 768 : i32
    %add3A_187 = arith.addi %mul3A_2, %add3A_186 : i32
    "tpu.region"() ({
      %run_scoped3A = tpu.sem_alloc : memref<!tpu.dma_semaphore, #tpu.memory_space<semaphore_mem>>
      %dma_start3A_260 = arith.constant 0 : i32
      %dma_start3A_261 = tpu.memref_slice %arg4[%add3A_187, %dma_start3A_260] : memref<36864x64xf32, #tpu.memory_space<hbm>> -> memref<128x64xf32, #tpu.memory_space<hbm>>
      %dma_start3A_262 = arith.constant 0 : i32
      %dma_start3A_263 = tpu.memref_slice %arg4[%add3A_187, %dma_start3A_262] : memref<36864x64xf32, #tpu.memory_space<hbm>> -> memref<128x64xf32, #tpu.memory_space<hbm>>
      tpu.enqueue_dma source(%arg7 : memref<128x64xf32, #tpu.memory_space<vmem>>) target(%dma_start3A_263 : memref<128x64xf32, #tpu.memory_space<hbm>>) target_semaphore(%run_scoped3A : memref<!tpu.dma_semaphore, #tpu.memory_space<semaphore_mem>>)
      %dma_wait3A_264 = arith.constant 0 : i32
      %dma_wait3A_265 = tpu.memref_slice %arg4[%add3A_187, %dma_wait3A_264] : memref<36864x64xf32, #tpu.memory_space<hbm>> -> memref<128x64xf32, #tpu.memory_space<hbm>>
      %dma_wait3A_266 = arith.constant 0 : i32
      %dma_wait3A_267 = tpu.memref_slice %arg4[%add3A_187, %dma_wait3A_266] : memref<36864x64xf32, #tpu.memory_space<hbm>> -> memref<128x64xf32, #tpu.memory_space<hbm>>
      tpu.wait_dma2 semaphore(%run_scoped3A : memref<!tpu.dma_semaphore, #tpu.memory_space<semaphore_mem>>) src(%arg7 : memref<128x64xf32, #tpu.memory_space<vmem>>) dst(%dma_wait3A_267 : memref<128x64xf32, #tpu.memory_space<hbm>>)
      tpu.yield
    }) : () -> ()
    %get3A_188 = arith.constant 768 : index
    %get3A_189 = tpu.vector_load %arg6[%get3A_188] {strides = array<i32>} : memref<1152xi32, #tpu.memory_space<vmem>>, vector<16xi32>,
    tpu.vector_store_idx %arg8[%get3A_189], %broadcast_in_dim3A_10 {add = true} : memref<8192xf32, #tpu.memory_space<vmem>>[vector<16xi32>], vector<16xf32>,
    %get3A_190 = arith.constant 784 : index
    %get3A_191 = tpu.vector_load %arg6[%get3A_190] {strides = array<i32>} : memref<1152xi32, #tpu.memory_space<vmem>>, vector<16xi32>,
    tpu.vector_store_idx %arg8[%get3A_191], %broadcast_in_dim3A_10 {add = true} : memref<8192xf32, #tpu.memory_space<vmem>>[vector<16xi32>], vector<16xf32>,
    %get3A_192 = arith.constant 800 : index
    %get3A_193 = tpu.vector_load %arg6[%get3A_192] {strides = array<i32>} : memref<1152xi32, #tpu.memory_space<vmem>>, vector<16xi32>,
    tpu.vector_store_idx %arg8[%get3A_193], %broadcast_in_dim3A_10 {add = true} : memref<8192xf32, #tpu.memory_space<vmem>>[vector<16xi32>], vector<16xf32>,
    %get3A_194 = arith.constant 816 : index
    %get3A_195 = tpu.vector_load %arg6[%get3A_194] {strides = array<i32>} : memref<1152xi32, #tpu.memory_space<vmem>>, vector<16xi32>,
    tpu.vector_store_idx %arg8[%get3A_195], %broadcast_in_dim3A_10 {add = true} : memref<8192xf32, #tpu.memory_space<vmem>>[vector<16xi32>], vector<16xf32>,
    %get3A_196 = arith.constant 832 : index
    %get3A_197 = tpu.vector_load %arg6[%get3A_196] {strides = array<i32>} : memref<1152xi32, #tpu.memory_space<vmem>>, vector<16xi32>,
    tpu.vector_store_idx %arg8[%get3A_197], %broadcast_in_dim3A_10 {add = true} : memref<8192xf32, #tpu.memory_space<vmem>>[vector<16xi32>], vector<16xf32>,
    %get3A_198 = arith.constant 848 : index
    %get3A_199 = tpu.vector_load %arg6[%get3A_198] {strides = array<i32>} : memref<1152xi32, #tpu.memory_space<vmem>>, vector<16xi32>,
    tpu.vector_store_idx %arg8[%get3A_199], %broadcast_in_dim3A_10 {add = true} : memref<8192xf32, #tpu.memory_space<vmem>>[vector<16xi32>], vector<16xf32>,
    %get3A_200 = arith.constant 864 : index
    %get3A_201 = tpu.vector_load %arg6[%get3A_200] {strides = array<i32>} : memref<1152xi32, #tpu.memory_space<vmem>>, vector<16xi32>,
    tpu.vector_store_idx %arg8[%get3A_201], %broadcast_in_dim3A_10 {add = true} : memref<8192xf32, #tpu.memory_space<vmem>>[vector<16xi32>], vector<16xf32>,
    %get3A_202 = arith.constant 880 : index
    %get3A_203 = tpu.vector_load %arg6[%get3A_202] {strides = array<i32>} : memref<1152xi32, #tpu.memory_space<vmem>>, vector<16xi32>,
    tpu.vector_store_idx %arg8[%get3A_203], %broadcast_in_dim3A_10 {add = true} : memref<8192xf32, #tpu.memory_space<vmem>>[vector<16xi32>], vector<16xf32>,
    %dma_start3A_204 = arith.constant 896 : i32
    %dma_start3A_205 = tpu.memref_slice %arg6[%dma_start3A_204] : memref<1152xi32, #tpu.memory_space<vmem>> -> memref<128xi32, #tpu.memory_space<vmem>>
    %dma_start3A_206 = arith.constant 0 : i32
    %dma_start3A_207 = arith.constant 0 : i32
    %dma_start3A_208 = tpu.memref_slice %arg3[%dma_start3A_206, %dma_start3A_207] : memref<8192x64xf32, #tpu.memory_space<hbm>> -> memref<8192x64xf32, #tpu.memory_space<hbm>>
    tpu.enqueue_indirect_dma source(%dma_start3A_208 : memref<8192x64xf32, #tpu.memory_space<hbm>>) target(%arg7 : memref<128x64xf32, #tpu.memory_space<vmem>>) offsets(%dma_start3A_205 : memref<128xi32, #tpu.memory_space<vmem>>) semaphore(%arg9 : memref<!tpu.dma_semaphore, #tpu.memory_space<semaphore_mem>>)
    %dma_wait3A_209 = arith.constant 896 : i32
    %dma_wait3A_210 = tpu.memref_slice %arg6[%dma_wait3A_209] : memref<1152xi32, #tpu.memory_space<vmem>> -> memref<128xi32, #tpu.memory_space<vmem>>
    %dma_wait3A_211 = arith.constant 0 : i32
    %dma_wait3A_212 = arith.constant 0 : i32
    %dma_wait3A_213 = tpu.memref_slice %arg3[%dma_wait3A_211, %dma_wait3A_212] : memref<8192x64xf32, #tpu.memory_space<hbm>> -> memref<8192x64xf32, #tpu.memory_space<hbm>>
    tpu.wait_indirect_dma semaphore(%arg9 : memref<!tpu.dma_semaphore, #tpu.memory_space<semaphore_mem>>) src(%dma_wait3A_213 : memref<8192x64xf32, #tpu.memory_space<hbm>>) dst(%arg7 : memref<128x64xf32, #tpu.memory_space<vmem>>)
    %add3A_214 = arith.constant 896 : i32
    %add3A_215 = arith.addi %mul3A_2, %add3A_214 : i32
    "tpu.region"() ({
      %run_scoped3A = tpu.sem_alloc : memref<!tpu.dma_semaphore, #tpu.memory_space<semaphore_mem>>
      %dma_start3A_260 = arith.constant 0 : i32
      %dma_start3A_261 = tpu.memref_slice %arg4[%add3A_215, %dma_start3A_260] : memref<36864x64xf32, #tpu.memory_space<hbm>> -> memref<128x64xf32, #tpu.memory_space<hbm>>
      %dma_start3A_262 = arith.constant 0 : i32
      %dma_start3A_263 = tpu.memref_slice %arg4[%add3A_215, %dma_start3A_262] : memref<36864x64xf32, #tpu.memory_space<hbm>> -> memref<128x64xf32, #tpu.memory_space<hbm>>
      tpu.enqueue_dma source(%arg7 : memref<128x64xf32, #tpu.memory_space<vmem>>) target(%dma_start3A_263 : memref<128x64xf32, #tpu.memory_space<hbm>>) target_semaphore(%run_scoped3A : memref<!tpu.dma_semaphore, #tpu.memory_space<semaphore_mem>>)
      %dma_wait3A_264 = arith.constant 0 : i32
      %dma_wait3A_265 = tpu.memref_slice %arg4[%add3A_215, %dma_wait3A_264] : memref<36864x64xf32, #tpu.memory_space<hbm>> -> memref<128x64xf32, #tpu.memory_space<hbm>>
      %dma_wait3A_266 = arith.constant 0 : i32
      %dma_wait3A_267 = tpu.memref_slice %arg4[%add3A_215, %dma_wait3A_266] : memref<36864x64xf32, #tpu.memory_space<hbm>> -> memref<128x64xf32, #tpu.memory_space<hbm>>
      tpu.wait_dma2 semaphore(%run_scoped3A : memref<!tpu.dma_semaphore, #tpu.memory_space<semaphore_mem>>) src(%arg7 : memref<128x64xf32, #tpu.memory_space<vmem>>) dst(%dma_wait3A_267 : memref<128x64xf32, #tpu.memory_space<hbm>>)
      tpu.yield
    }) : () -> ()
    %get3A_216 = arith.constant 896 : index
    %get3A_217 = tpu.vector_load %arg6[%get3A_216] {strides = array<i32>} : memref<1152xi32, #tpu.memory_space<vmem>>, vector<16xi32>,
    tpu.vector_store_idx %arg8[%get3A_217], %broadcast_in_dim3A_10 {add = true} : memref<8192xf32, #tpu.memory_space<vmem>>[vector<16xi32>], vector<16xf32>,
    %get3A_218 = arith.constant 912 : index
    %get3A_219 = tpu.vector_load %arg6[%get3A_218] {strides = array<i32>} : memref<1152xi32, #tpu.memory_space<vmem>>, vector<16xi32>,
    tpu.vector_store_idx %arg8[%get3A_219], %broadcast_in_dim3A_10 {add = true} : memref<8192xf32, #tpu.memory_space<vmem>>[vector<16xi32>], vector<16xf32>,
    %get3A_220 = arith.constant 928 : index
    %get3A_221 = tpu.vector_load %arg6[%get3A_220] {strides = array<i32>} : memref<1152xi32, #tpu.memory_space<vmem>>, vector<16xi32>,
    tpu.vector_store_idx %arg8[%get3A_221], %broadcast_in_dim3A_10 {add = true} : memref<8192xf32, #tpu.memory_space<vmem>>[vector<16xi32>], vector<16xf32>,
    %get3A_222 = arith.constant 944 : index
    %get3A_223 = tpu.vector_load %arg6[%get3A_222] {strides = array<i32>} : memref<1152xi32, #tpu.memory_space<vmem>>, vector<16xi32>,
    tpu.vector_store_idx %arg8[%get3A_223], %broadcast_in_dim3A_10 {add = true} : memref<8192xf32, #tpu.memory_space<vmem>>[vector<16xi32>], vector<16xf32>,
    %get3A_224 = arith.constant 960 : index
    %get3A_225 = tpu.vector_load %arg6[%get3A_224] {strides = array<i32>} : memref<1152xi32, #tpu.memory_space<vmem>>, vector<16xi32>,
    tpu.vector_store_idx %arg8[%get3A_225], %broadcast_in_dim3A_10 {add = true} : memref<8192xf32, #tpu.memory_space<vmem>>[vector<16xi32>], vector<16xf32>,
    %get3A_226 = arith.constant 976 : index
    %get3A_227 = tpu.vector_load %arg6[%get3A_226] {strides = array<i32>} : memref<1152xi32, #tpu.memory_space<vmem>>, vector<16xi32>,
    tpu.vector_store_idx %arg8[%get3A_227], %broadcast_in_dim3A_10 {add = true} : memref<8192xf32, #tpu.memory_space<vmem>>[vector<16xi32>], vector<16xf32>,
    %get3A_228 = arith.constant 992 : index
    %get3A_229 = tpu.vector_load %arg6[%get3A_228] {strides = array<i32>} : memref<1152xi32, #tpu.memory_space<vmem>>, vector<16xi32>,
    tpu.vector_store_idx %arg8[%get3A_229], %broadcast_in_dim3A_10 {add = true} : memref<8192xf32, #tpu.memory_space<vmem>>[vector<16xi32>], vector<16xf32>,
    %get3A_230 = arith.constant 1008 : index
    %get3A_231 = tpu.vector_load %arg6[%get3A_230] {strides = array<i32>} : memref<1152xi32, #tpu.memory_space<vmem>>, vector<16xi32>,
    tpu.vector_store_idx %arg8[%get3A_231], %broadcast_in_dim3A_10 {add = true} : memref<8192xf32, #tpu.memory_space<vmem>>[vector<16xi32>], vector<16xf32>,
    %dma_start3A_232 = arith.constant 1024 : i32
    %dma_start3A_233 = tpu.memref_slice %arg6[%dma_start3A_232] : memref<1152xi32, #tpu.memory_space<vmem>> -> memref<128xi32, #tpu.memory_space<vmem>>
    %dma_start3A_234 = arith.constant 0 : i32
    %dma_start3A_235 = arith.constant 0 : i32
    %dma_start3A_236 = tpu.memref_slice %arg3[%dma_start3A_234, %dma_start3A_235] : memref<8192x64xf32, #tpu.memory_space<hbm>> -> memref<8192x64xf32, #tpu.memory_space<hbm>>
    tpu.enqueue_indirect_dma source(%dma_start3A_236 : memref<8192x64xf32, #tpu.memory_space<hbm>>) target(%arg7 : memref<128x64xf32, #tpu.memory_space<vmem>>) offsets(%dma_start3A_233 : memref<128xi32, #tpu.memory_space<vmem>>) semaphore(%arg9 : memref<!tpu.dma_semaphore, #tpu.memory_space<semaphore_mem>>)
    %dma_wait3A_237 = arith.constant 1024 : i32
    %dma_wait3A_238 = tpu.memref_slice %arg6[%dma_wait3A_237] : memref<1152xi32, #tpu.memory_space<vmem>> -> memref<128xi32, #tpu.memory_space<vmem>>
    %dma_wait3A_239 = arith.constant 0 : i32
    %dma_wait3A_240 = arith.constant 0 : i32
    %dma_wait3A_241 = tpu.memref_slice %arg3[%dma_wait3A_239, %dma_wait3A_240] : memref<8192x64xf32, #tpu.memory_space<hbm>> -> memref<8192x64xf32, #tpu.memory_space<hbm>>
    tpu.wait_indirect_dma semaphore(%arg9 : memref<!tpu.dma_semaphore, #tpu.memory_space<semaphore_mem>>) src(%dma_wait3A_241 : memref<8192x64xf32, #tpu.memory_space<hbm>>) dst(%arg7 : memref<128x64xf32, #tpu.memory_space<vmem>>)
    %add3A_242 = arith.constant 1024 : i32
    %add3A_243 = arith.addi %mul3A_2, %add3A_242 : i32
    "tpu.region"() ({
      %run_scoped3A = tpu.sem_alloc : memref<!tpu.dma_semaphore, #tpu.memory_space<semaphore_mem>>
      %dma_start3A_260 = arith.constant 0 : i32
      %dma_start3A_261 = tpu.memref_slice %arg4[%add3A_243, %dma_start3A_260] : memref<36864x64xf32, #tpu.memory_space<hbm>> -> memref<128x64xf32, #tpu.memory_space<hbm>>
      %dma_start3A_262 = arith.constant 0 : i32
      %dma_start3A_263 = tpu.memref_slice %arg4[%add3A_243, %dma_start3A_262] : memref<36864x64xf32, #tpu.memory_space<hbm>> -> memref<128x64xf32, #tpu.memory_space<hbm>>
      tpu.enqueue_dma source(%arg7 : memref<128x64xf32, #tpu.memory_space<vmem>>) target(%dma_start3A_263 : memref<128x64xf32, #tpu.memory_space<hbm>>) target_semaphore(%run_scoped3A : memref<!tpu.dma_semaphore, #tpu.memory_space<semaphore_mem>>)
      %dma_wait3A_264 = arith.constant 0 : i32
      %dma_wait3A_265 = tpu.memref_slice %arg4[%add3A_243, %dma_wait3A_264] : memref<36864x64xf32, #tpu.memory_space<hbm>> -> memref<128x64xf32, #tpu.memory_space<hbm>>
      %dma_wait3A_266 = arith.constant 0 : i32
      %dma_wait3A_267 = tpu.memref_slice %arg4[%add3A_243, %dma_wait3A_266] : memref<36864x64xf32, #tpu.memory_space<hbm>> -> memref<128x64xf32, #tpu.memory_space<hbm>>
      tpu.wait_dma2 semaphore(%run_scoped3A : memref<!tpu.dma_semaphore, #tpu.memory_space<semaphore_mem>>) src(%arg7 : memref<128x64xf32, #tpu.memory_space<vmem>>) dst(%dma_wait3A_267 : memref<128x64xf32, #tpu.memory_space<hbm>>)
      tpu.yield
    }) : () -> ()
    %get3A_244 = arith.constant 1024 : index
    %get3A_245 = tpu.vector_load %arg6[%get3A_244] {strides = array<i32>} : memref<1152xi32, #tpu.memory_space<vmem>>, vector<16xi32>,
    tpu.vector_store_idx %arg8[%get3A_245], %broadcast_in_dim3A_10 {add = true} : memref<8192xf32, #tpu.memory_space<vmem>>[vector<16xi32>], vector<16xf32>,
    %get3A_246 = arith.constant 1040 : index
    %get3A_247 = tpu.vector_load %arg6[%get3A_246] {strides = array<i32>} : memref<1152xi32, #tpu.memory_space<vmem>>, vector<16xi32>,
    tpu.vector_store_idx %arg8[%get3A_247], %broadcast_in_dim3A_10 {add = true} : memref<8192xf32, #tpu.memory_space<vmem>>[vector<16xi32>], vector<16xf32>,
    %get3A_248 = arith.constant 1056 : index
    %get3A_249 = tpu.vector_load %arg6[%get3A_248] {strides = array<i32>} : memref<1152xi32, #tpu.memory_space<vmem>>, vector<16xi32>,
    tpu.vector_store_idx %arg8[%get3A_249], %broadcast_in_dim3A_10 {add = true} : memref<8192xf32, #tpu.memory_space<vmem>>[vector<16xi32>], vector<16xf32>,
    %get3A_250 = arith.constant 1072 : index
    %get3A_251 = tpu.vector_load %arg6[%get3A_250] {strides = array<i32>} : memref<1152xi32, #tpu.memory_space<vmem>>, vector<16xi32>,
    tpu.vector_store_idx %arg8[%get3A_251], %broadcast_in_dim3A_10 {add = true} : memref<8192xf32, #tpu.memory_space<vmem>>[vector<16xi32>], vector<16xf32>,
    %get3A_252 = arith.constant 1088 : index
    %get3A_253 = tpu.vector_load %arg6[%get3A_252] {strides = array<i32>} : memref<1152xi32, #tpu.memory_space<vmem>>, vector<16xi32>,
    tpu.vector_store_idx %arg8[%get3A_253], %broadcast_in_dim3A_10 {add = true} : memref<8192xf32, #tpu.memory_space<vmem>>[vector<16xi32>], vector<16xf32>,
    %get3A_254 = arith.constant 1104 : index
    %get3A_255 = tpu.vector_load %arg6[%get3A_254] {strides = array<i32>} : memref<1152xi32, #tpu.memory_space<vmem>>, vector<16xi32>,
    tpu.vector_store_idx %arg8[%get3A_255], %broadcast_in_dim3A_10 {add = true} : memref<8192xf32, #tpu.memory_space<vmem>>[vector<16xi32>], vector<16xf32>,
    %get3A_256 = arith.constant 1120 : index
    %get3A_257 = tpu.vector_load %arg6[%get3A_256] {strides = array<i32>} : memref<1152xi32, #tpu.memory_space<vmem>>, vector<16xi32>,
    tpu.vector_store_idx %arg8[%get3A_257], %broadcast_in_dim3A_10 {add = true} : memref<8192xf32, #tpu.memory_space<vmem>>[vector<16xi32>], vector<16xf32>,
    %get3A_258 = arith.constant 1136 : index
    %get3A_259 = tpu.vector_load %arg6[%get3A_258] {strides = array<i32>} : memref<1152xi32, #tpu.memory_space<vmem>>, vector<16xi32>,
    tpu.vector_store_idx %arg8[%get3A_259], %broadcast_in_dim3A_10 {add = true} : memref<8192xf32, #tpu.memory_space<vmem>>[vector<16xi32>], vector<16xf32>,
    "tpu.region"() ({
      %run_scoped3A = tpu.sem_alloc : memref<!tpu.dma_semaphore, #tpu.memory_space<semaphore_mem>>
      %dma_start3A_260 = arith.constant 0 : i32
      %dma_start3A_261 = tpu.memref_slice %arg5[%add3A, %dma_start3A_260] : memref<32x8192xf32, #tpu.memory_space<hbm>> -> memref<1x8192xf32, #tpu.memory_space<hbm>>
      %dma_start3A_262 = tpu.memref_squeeze %dma_start3A_261 : memref<1x8192xf32, #tpu.memory_space<hbm>> -> memref<8192xf32, #tpu.memory_space<hbm>>
      %dma_start3A_263 = arith.constant 0 : i32
      %dma_start3A_264 = tpu.memref_slice %arg5[%add3A, %dma_start3A_263] : memref<32x8192xf32, #tpu.memory_space<hbm>> -> memref<1x8192xf32, #tpu.memory_space<hbm>>
      %dma_start3A_265 = tpu.memref_squeeze %dma_start3A_264 : memref<1x8192xf32, #tpu.memory_space<hbm>> -> memref<8192xf32, #tpu.memory_space<hbm>>
      tpu.enqueue_dma source(%arg8 : memref<8192xf32, #tpu.memory_space<vmem>>) target(%dma_start3A_265 : memref<8192xf32, #tpu.memory_space<hbm>>) target_semaphore(%run_scoped3A : memref<!tpu.dma_semaphore, #tpu.memory_space<semaphore_mem>>)
      %dma_wait3A_266 = arith.constant 0 : i32
      %dma_wait3A_267 = tpu.memref_slice %arg5[%add3A, %dma_wait3A_266] : memref<32x8192xf32, #tpu.memory_space<hbm>> -> memref<1x8192xf32, #tpu.memory_space<hbm>>
      %dma_wait3A_268 = tpu.memref_squeeze %dma_wait3A_267 : memref<1x8192xf32, #tpu.memory_space<hbm>> -> memref<8192xf32, #tpu.memory_space<hbm>>
      %dma_wait3A_269 = arith.constant 0 : i32
      %dma_wait3A_270 = tpu.memref_slice %arg5[%add3A, %dma_wait3A_269] : memref<32x8192xf32, #tpu.memory_space<hbm>> -> memref<1x8192xf32, #tpu.memory_space<hbm>>
      %dma_wait3A_271 = tpu.memref_squeeze %dma_wait3A_270 : memref<1x8192xf32, #tpu.memory_space<hbm>> -> memref<8192xf32, #tpu.memory_space<hbm>>
      tpu.wait_dma2 semaphore(%run_scoped3A : memref<!tpu.dma_semaphore, #tpu.memory_space<semaphore_mem>>) src(%arg8 : memref<8192xf32, #tpu.memory_space<vmem>>) dst(%dma_wait3A_271 : memref<8192xf32, #tpu.memory_space<hbm>>)
      tpu.yield
    }) : () -> ()
    return
  }
}

module attributes {stable_mosaic.version = 14 : i64} {
  func.func @_argmin_body(%arg0: i32, %arg1: memref<512x64xf32, #tpu.memory_space<vmem>>, %arg2: memref<8192x64xf32, #tpu.memory_space<vmem>>, %arg3: memref<1x1x512xi32, #tpu.memory_space<vmem>>, %arg4: memref<1x1xf32, #tpu.memory_space<smem>>, %arg5: memref<1xf32, #tpu.memory_space<smem>>) attributes {dimension_semantics = [#tpu.dimension_semantics<arbitrary>], iteration_bounds = array<i64: 72>, scalar_prefetch = 0 : i64, scratch_operands = 1 : i64, tpu.core_type = #tpu.core_type<tc>, window_params = [{transform_indices = @transform_0, window_bounds = array<i64: 512, 64>}, {pipeline_mode = #tpu.pipeline_mode<synchronous>, transform_indices = @transform_1, window_bounds = array<i64: 8192, 64>}, {transform_indices = @transform_2, window_bounds = array<i64: 1, 1, 512>}, {transform_indices = @transform_3, window_bounds = array<i64: 1, 1>}]} {
    %get3A = arith.constant 0 : index
    %get3A_0 = arith.constant 0 : index
    %get3A_1 = vector.load %arg1[%get3A, %get3A_0] : memref<512x64xf32, #tpu.memory_space<vmem>>, vector<512x64xf32>
    %mul3A = arith.mulf %get3A_1, %get3A_1 : vector<512x64xf32>
    %reduce_sum3A = arith.constant dense<0.000000e+00> : vector<512xf32>
    %reduce_sum3A_2 = vector.multi_reduction <add>, %mul3A, %reduce_sum3A [1] : vector<512x64xf32> to vector<512xf32>
    %broadcast_in_dim3A = vector.shape_cast %reduce_sum3A_2 : vector<512xf32> to vector<512x1xf32>
    %broadcast_in_dim3A_3 = arith.constant 0x7F800000 : f32
    %broadcast_in_dim3A_4 = vector.broadcast %broadcast_in_dim3A_3 : f32 to vector<512x1xf32>
    %broadcast_in_dim3A_5 = arith.constant 0x7F800000 : f32
    %broadcast_in_dim3A_6 = vector.broadcast %broadcast_in_dim3A_5 : f32 to vector<512x1xf32>
    %broadcast_in_dim3A_7 = arith.constant 0 : i32
    %broadcast_in_dim3A_8 = vector.broadcast %broadcast_in_dim3A_7 : i32 to vector<512x1xi32>
    %get3A_9 = arith.constant 0 : index
    %get3A_10 = arith.constant 0 : index
    %get3A_11 = vector.load %arg2[%get3A_9, %get3A_10] : memref<8192x64xf32, #tpu.memory_space<vmem>>, vector<512x64xf32>
    %mul3A_12 = arith.mulf %get3A_11, %get3A_11 : vector<512x64xf32>
    %reduce_sum3A_13 = arith.constant dense<0.000000e+00> : vector<512xf32>
    %reduce_sum3A_14 = vector.multi_reduction <add>, %mul3A_12, %reduce_sum3A_13 [1] : vector<512x64xf32> to vector<512xf32>
    %dot_general3A = arith.constant dense<0.000000e+00> : vector<512x512xf32>
    %dot_general3A_15 = tpu.matmul %get3A_1, %get3A_11, %dot_general3A {dimension_numbers = #tpu.dot_dimension_numbers<[1], [1], [0], [0], [0, 0, 1, 0], [], []>, transpose_lhs_hint = false} : vector<512x64xf32>, vector<512x64xf32>, vector<512x512xf32> -> vector<512x512xf32>
    %broadcast_in_dim3A_16 = vector.shape_cast %reduce_sum3A_14 : vector<512xf32> to vector<1x512xf32>
    %add3A = vector.broadcast %broadcast_in_dim3A : vector<512x1xf32> to vector<512x512xf32>
    %add3A_17 = vector.broadcast %broadcast_in_dim3A_16 : vector<1x512xf32> to vector<512x512xf32>
    %add3A_18 = arith.addf %add3A, %add3A_17 : vector<512x512xf32>
    %mul3A_19 = arith.constant 2.000000e+00 : f32
    %mul3A_20 = vector.broadcast %mul3A_19 : f32 to vector<512x512xf32>
    %mul3A_21 = arith.mulf %mul3A_20, %dot_general3A_15 : vector<512x512xf32>
    %sub3A = arith.subf %add3A_18, %mul3A_21 : vector<512x512xf32>
    %reduce_min3A = arith.constant dense<0x7F800000> : vector<512xf32>
    %reduce_min3A_22 = vector.multi_reduction <minimumf>, %sub3A, %reduce_min3A [1] : vector<512x512xf32> to vector<512xf32>
    %broadcast_in_dim3A_23 = vector.shape_cast %reduce_min3A_22 : vector<512xf32> to vector<512x1xf32>
    %iota3A = tpu.iota {dimensions = array<i32: 1>} : vector<512x512xi32>
    %add3A_24 = arith.constant 0 : i32
    %add3A_25 = vector.broadcast %add3A_24 : i32 to vector<512x512xi32>
    %add3A_26 = arith.addi %iota3A, %add3A_25 : vector<512x512xi32>
    %eq3A = vector.broadcast %broadcast_in_dim3A_23 : vector<512x1xf32> to vector<512x512xf32>
    %eq3A_27 = arith.cmpf oeq, %sub3A, %eq3A : vector<512x512xf32>
    %jit3A = arith.constant 1073741824 : i32
    %broadcast_in_dim3A_28 = vector.broadcast %jit3A : i32 to vector<512x512xi32>
    %select_n3A = arith.select %eq3A_27, %add3A_26, %broadcast_in_dim3A_28 : vector<512x512xi1>, vector<512x512xi32>
    %reduce_min3A_29 = arith.constant dense<2147483647> : vector<512xi32>
    %reduce_min3A_30 = vector.multi_reduction <minsi>, %select_n3A, %reduce_min3A_29 [1] : vector<512x512xi32> to vector<512xi32>
    %broadcast_in_dim3A_31 = vector.shape_cast %reduce_min3A_30 : vector<512xi32> to vector<512x1xi32>
    %lt3A = arith.cmpf olt, %broadcast_in_dim3A_23, %broadcast_in_dim3A_4 : vector<512x1xf32>
    %select_n3A_32 = arith.select %lt3A, %broadcast_in_dim3A_31, %broadcast_in_dim3A_8 : vector<512x1xi1>, vector<512x1xi32>
    %select_n3A_33 = arith.select %lt3A, %broadcast_in_dim3A_23, %broadcast_in_dim3A_4 : vector<512x1xi1>, vector<512x1xf32>
    %min3A = arith.minimumf %broadcast_in_dim3A_6, %broadcast_in_dim3A_23 : vector<512x1xf32>
    %get3A_34 = arith.constant 512 : index
    %get3A_35 = arith.constant 0 : index
    %get3A_36 = vector.load %arg2[%get3A_34, %get3A_35] : memref<8192x64xf32, #tpu.memory_space<vmem>>, vector<512x64xf32>
    %mul3A_37 = arith.mulf %get3A_36, %get3A_36 : vector<512x64xf32>
    %reduce_sum3A_38 = arith.constant dense<0.000000e+00> : vector<512xf32>
    %reduce_sum3A_39 = vector.multi_reduction <add>, %mul3A_37, %reduce_sum3A_38 [1] : vector<512x64xf32> to vector<512xf32>
    %dot_general3A_40 = arith.constant dense<0.000000e+00> : vector<512x512xf32>
    %dot_general3A_41 = tpu.matmul %get3A_1, %get3A_36, %dot_general3A_40 {dimension_numbers = #tpu.dot_dimension_numbers<[1], [1], [0], [0], [0, 0, 1, 0], [], []>, transpose_lhs_hint = false} : vector<512x64xf32>, vector<512x64xf32>, vector<512x512xf32> -> vector<512x512xf32>
    %broadcast_in_dim3A_42 = vector.shape_cast %reduce_sum3A_39 : vector<512xf32> to vector<1x512xf32>
    %add3A_43 = vector.broadcast %broadcast_in_dim3A : vector<512x1xf32> to vector<512x512xf32>
    %add3A_44 = vector.broadcast %broadcast_in_dim3A_42 : vector<1x512xf32> to vector<512x512xf32>
    %add3A_45 = arith.addf %add3A_43, %add3A_44 : vector<512x512xf32>
    %mul3A_46 = arith.constant 2.000000e+00 : f32
    %mul3A_47 = vector.broadcast %mul3A_46 : f32 to vector<512x512xf32>
    %mul3A_48 = arith.mulf %mul3A_47, %dot_general3A_41 : vector<512x512xf32>
    %sub3A_49 = arith.subf %add3A_45, %mul3A_48 : vector<512x512xf32>
    %reduce_min3A_50 = arith.constant dense<0x7F800000> : vector<512xf32>
    %reduce_min3A_51 = vector.multi_reduction <minimumf>, %sub3A_49, %reduce_min3A_50 [1] : vector<512x512xf32> to vector<512xf32>
    %broadcast_in_dim3A_52 = vector.shape_cast %reduce_min3A_51 : vector<512xf32> to vector<512x1xf32>
    %iota3A_53 = tpu.iota {dimensions = array<i32: 1>} : vector<512x512xi32>
    %add3A_54 = arith.constant 512 : i32
    %add3A_55 = vector.broadcast %add3A_54 : i32 to vector<512x512xi32>
    %add3A_56 = arith.addi %iota3A_53, %add3A_55 : vector<512x512xi32>
    %eq3A_57 = vector.broadcast %broadcast_in_dim3A_52 : vector<512x1xf32> to vector<512x512xf32>
    %eq3A_58 = arith.cmpf oeq, %sub3A_49, %eq3A_57 : vector<512x512xf32>
    %jit3A_59 = arith.constant 1073741824 : i32
    %broadcast_in_dim3A_60 = vector.broadcast %jit3A_59 : i32 to vector<512x512xi32>
    %select_n3A_61 = arith.select %eq3A_58, %add3A_56, %broadcast_in_dim3A_60 : vector<512x512xi1>, vector<512x512xi32>
    %reduce_min3A_62 = arith.constant dense<2147483647> : vector<512xi32>
    %reduce_min3A_63 = vector.multi_reduction <minsi>, %select_n3A_61, %reduce_min3A_62 [1] : vector<512x512xi32> to vector<512xi32>
    %broadcast_in_dim3A_64 = vector.shape_cast %reduce_min3A_63 : vector<512xi32> to vector<512x1xi32>
    %lt3A_65 = arith.cmpf olt, %broadcast_in_dim3A_52, %select_n3A_33 : vector<512x1xf32>
    %select_n3A_66 = arith.select %lt3A_65, %broadcast_in_dim3A_64, %select_n3A_32 : vector<512x1xi1>, vector<512x1xi32>
    %select_n3A_67 = arith.select %lt3A_65, %broadcast_in_dim3A_52, %select_n3A_33 : vector<512x1xi1>, vector<512x1xf32>
    %min3A_68 = arith.minimumf %min3A, %broadcast_in_dim3A_52 : vector<512x1xf32>
    %get3A_69 = arith.constant 1024 : index
    %get3A_70 = arith.constant 0 : index
    %get3A_71 = vector.load %arg2[%get3A_69, %get3A_70] : memref<8192x64xf32, #tpu.memory_space<vmem>>, vector<512x64xf32>
    %mul3A_72 = arith.mulf %get3A_71, %get3A_71 : vector<512x64xf32>
    %reduce_sum3A_73 = arith.constant dense<0.000000e+00> : vector<512xf32>
    %reduce_sum3A_74 = vector.multi_reduction <add>, %mul3A_72, %reduce_sum3A_73 [1] : vector<512x64xf32> to vector<512xf32>
    %dot_general3A_75 = arith.constant dense<0.000000e+00> : vector<512x512xf32>
    %dot_general3A_76 = tpu.matmul %get3A_1, %get3A_71, %dot_general3A_75 {dimension_numbers = #tpu.dot_dimension_numbers<[1], [1], [0], [0], [0, 0, 1, 0], [], []>, transpose_lhs_hint = false} : vector<512x64xf32>, vector<512x64xf32>, vector<512x512xf32> -> vector<512x512xf32>
    %broadcast_in_dim3A_77 = vector.shape_cast %reduce_sum3A_74 : vector<512xf32> to vector<1x512xf32>
    %add3A_78 = vector.broadcast %broadcast_in_dim3A : vector<512x1xf32> to vector<512x512xf32>
    %add3A_79 = vector.broadcast %broadcast_in_dim3A_77 : vector<1x512xf32> to vector<512x512xf32>
    %add3A_80 = arith.addf %add3A_78, %add3A_79 : vector<512x512xf32>
    %mul3A_81 = arith.constant 2.000000e+00 : f32
    %mul3A_82 = vector.broadcast %mul3A_81 : f32 to vector<512x512xf32>
    %mul3A_83 = arith.mulf %mul3A_82, %dot_general3A_76 : vector<512x512xf32>
    %sub3A_84 = arith.subf %add3A_80, %mul3A_83 : vector<512x512xf32>
    %reduce_min3A_85 = arith.constant dense<0x7F800000> : vector<512xf32>
    %reduce_min3A_86 = vector.multi_reduction <minimumf>, %sub3A_84, %reduce_min3A_85 [1] : vector<512x512xf32> to vector<512xf32>
    %broadcast_in_dim3A_87 = vector.shape_cast %reduce_min3A_86 : vector<512xf32> to vector<512x1xf32>
    %iota3A_88 = tpu.iota {dimensions = array<i32: 1>} : vector<512x512xi32>
    %add3A_89 = arith.constant 1024 : i32
    %add3A_90 = vector.broadcast %add3A_89 : i32 to vector<512x512xi32>
    %add3A_91 = arith.addi %iota3A_88, %add3A_90 : vector<512x512xi32>
    %eq3A_92 = vector.broadcast %broadcast_in_dim3A_87 : vector<512x1xf32> to vector<512x512xf32>
    %eq3A_93 = arith.cmpf oeq, %sub3A_84, %eq3A_92 : vector<512x512xf32>
    %jit3A_94 = arith.constant 1073741824 : i32
    %broadcast_in_dim3A_95 = vector.broadcast %jit3A_94 : i32 to vector<512x512xi32>
    %select_n3A_96 = arith.select %eq3A_93, %add3A_91, %broadcast_in_dim3A_95 : vector<512x512xi1>, vector<512x512xi32>
    %reduce_min3A_97 = arith.constant dense<2147483647> : vector<512xi32>
    %reduce_min3A_98 = vector.multi_reduction <minsi>, %select_n3A_96, %reduce_min3A_97 [1] : vector<512x512xi32> to vector<512xi32>
    %broadcast_in_dim3A_99 = vector.shape_cast %reduce_min3A_98 : vector<512xi32> to vector<512x1xi32>
    %lt3A_100 = arith.cmpf olt, %broadcast_in_dim3A_87, %select_n3A_67 : vector<512x1xf32>
    %select_n3A_101 = arith.select %lt3A_100, %broadcast_in_dim3A_99, %select_n3A_66 : vector<512x1xi1>, vector<512x1xi32>
    %select_n3A_102 = arith.select %lt3A_100, %broadcast_in_dim3A_87, %select_n3A_67 : vector<512x1xi1>, vector<512x1xf32>
    %min3A_103 = arith.minimumf %min3A_68, %broadcast_in_dim3A_87 : vector<512x1xf32>
    %get3A_104 = arith.constant 1536 : index
    %get3A_105 = arith.constant 0 : index
    %get3A_106 = vector.load %arg2[%get3A_104, %get3A_105] : memref<8192x64xf32, #tpu.memory_space<vmem>>, vector<512x64xf32>
    %mul3A_107 = arith.mulf %get3A_106, %get3A_106 : vector<512x64xf32>
    %reduce_sum3A_108 = arith.constant dense<0.000000e+00> : vector<512xf32>
    %reduce_sum3A_109 = vector.multi_reduction <add>, %mul3A_107, %reduce_sum3A_108 [1] : vector<512x64xf32> to vector<512xf32>
    %dot_general3A_110 = arith.constant dense<0.000000e+00> : vector<512x512xf32>
    %dot_general3A_111 = tpu.matmul %get3A_1, %get3A_106, %dot_general3A_110 {dimension_numbers = #tpu.dot_dimension_numbers<[1], [1], [0], [0], [0, 0, 1, 0], [], []>, transpose_lhs_hint = false} : vector<512x64xf32>, vector<512x64xf32>, vector<512x512xf32> -> vector<512x512xf32>
    %broadcast_in_dim3A_112 = vector.shape_cast %reduce_sum3A_109 : vector<512xf32> to vector<1x512xf32>
    %add3A_113 = vector.broadcast %broadcast_in_dim3A : vector<512x1xf32> to vector<512x512xf32>
    %add3A_114 = vector.broadcast %broadcast_in_dim3A_112 : vector<1x512xf32> to vector<512x512xf32>
    %add3A_115 = arith.addf %add3A_113, %add3A_114 : vector<512x512xf32>
    %mul3A_116 = arith.constant 2.000000e+00 : f32
    %mul3A_117 = vector.broadcast %mul3A_116 : f32 to vector<512x512xf32>
    %mul3A_118 = arith.mulf %mul3A_117, %dot_general3A_111 : vector<512x512xf32>
    %sub3A_119 = arith.subf %add3A_115, %mul3A_118 : vector<512x512xf32>
    %reduce_min3A_120 = arith.constant dense<0x7F800000> : vector<512xf32>
    %reduce_min3A_121 = vector.multi_reduction <minimumf>, %sub3A_119, %reduce_min3A_120 [1] : vector<512x512xf32> to vector<512xf32>
    %broadcast_in_dim3A_122 = vector.shape_cast %reduce_min3A_121 : vector<512xf32> to vector<512x1xf32>
    %iota3A_123 = tpu.iota {dimensions = array<i32: 1>} : vector<512x512xi32>
    %add3A_124 = arith.constant 1536 : i32
    %add3A_125 = vector.broadcast %add3A_124 : i32 to vector<512x512xi32>
    %add3A_126 = arith.addi %iota3A_123, %add3A_125 : vector<512x512xi32>
    %eq3A_127 = vector.broadcast %broadcast_in_dim3A_122 : vector<512x1xf32> to vector<512x512xf32>
    %eq3A_128 = arith.cmpf oeq, %sub3A_119, %eq3A_127 : vector<512x512xf32>
    %jit3A_129 = arith.constant 1073741824 : i32
    %broadcast_in_dim3A_130 = vector.broadcast %jit3A_129 : i32 to vector<512x512xi32>
    %select_n3A_131 = arith.select %eq3A_128, %add3A_126, %broadcast_in_dim3A_130 : vector<512x512xi1>, vector<512x512xi32>
    %reduce_min3A_132 = arith.constant dense<2147483647> : vector<512xi32>
    %reduce_min3A_133 = vector.multi_reduction <minsi>, %select_n3A_131, %reduce_min3A_132 [1] : vector<512x512xi32> to vector<512xi32>
    %broadcast_in_dim3A_134 = vector.shape_cast %reduce_min3A_133 : vector<512xi32> to vector<512x1xi32>
    %lt3A_135 = arith.cmpf olt, %broadcast_in_dim3A_122, %select_n3A_102 : vector<512x1xf32>
    %select_n3A_136 = arith.select %lt3A_135, %broadcast_in_dim3A_134, %select_n3A_101 : vector<512x1xi1>, vector<512x1xi32>
    %select_n3A_137 = arith.select %lt3A_135, %broadcast_in_dim3A_122, %select_n3A_102 : vector<512x1xi1>, vector<512x1xf32>
    %min3A_138 = arith.minimumf %min3A_103, %broadcast_in_dim3A_122 : vector<512x1xf32>
    %get3A_139 = arith.constant 2048 : index
    %get3A_140 = arith.constant 0 : index
    %get3A_141 = vector.load %arg2[%get3A_139, %get3A_140] : memref<8192x64xf32, #tpu.memory_space<vmem>>, vector<512x64xf32>
    %mul3A_142 = arith.mulf %get3A_141, %get3A_141 : vector<512x64xf32>
    %reduce_sum3A_143 = arith.constant dense<0.000000e+00> : vector<512xf32>
    %reduce_sum3A_144 = vector.multi_reduction <add>, %mul3A_142, %reduce_sum3A_143 [1] : vector<512x64xf32> to vector<512xf32>
    %dot_general3A_145 = arith.constant dense<0.000000e+00> : vector<512x512xf32>
    %dot_general3A_146 = tpu.matmul %get3A_1, %get3A_141, %dot_general3A_145 {dimension_numbers = #tpu.dot_dimension_numbers<[1], [1], [0], [0], [0, 0, 1, 0], [], []>, transpose_lhs_hint = false} : vector<512x64xf32>, vector<512x64xf32>, vector<512x512xf32> -> vector<512x512xf32>
    %broadcast_in_dim3A_147 = vector.shape_cast %reduce_sum3A_144 : vector<512xf32> to vector<1x512xf32>
    %add3A_148 = vector.broadcast %broadcast_in_dim3A : vector<512x1xf32> to vector<512x512xf32>
    %add3A_149 = vector.broadcast %broadcast_in_dim3A_147 : vector<1x512xf32> to vector<512x512xf32>
    %add3A_150 = arith.addf %add3A_148, %add3A_149 : vector<512x512xf32>
    %mul3A_151 = arith.constant 2.000000e+00 : f32
    %mul3A_152 = vector.broadcast %mul3A_151 : f32 to vector<512x512xf32>
    %mul3A_153 = arith.mulf %mul3A_152, %dot_general3A_146 : vector<512x512xf32>
    %sub3A_154 = arith.subf %add3A_150, %mul3A_153 : vector<512x512xf32>
    %reduce_min3A_155 = arith.constant dense<0x7F800000> : vector<512xf32>
    %reduce_min3A_156 = vector.multi_reduction <minimumf>, %sub3A_154, %reduce_min3A_155 [1] : vector<512x512xf32> to vector<512xf32>
    %broadcast_in_dim3A_157 = vector.shape_cast %reduce_min3A_156 : vector<512xf32> to vector<512x1xf32>
    %iota3A_158 = tpu.iota {dimensions = array<i32: 1>} : vector<512x512xi32>
    %add3A_159 = arith.constant 2048 : i32
    %add3A_160 = vector.broadcast %add3A_159 : i32 to vector<512x512xi32>
    %add3A_161 = arith.addi %iota3A_158, %add3A_160 : vector<512x512xi32>
    %eq3A_162 = vector.broadcast %broadcast_in_dim3A_157 : vector<512x1xf32> to vector<512x512xf32>
    %eq3A_163 = arith.cmpf oeq, %sub3A_154, %eq3A_162 : vector<512x512xf32>
    %jit3A_164 = arith.constant 1073741824 : i32
    %broadcast_in_dim3A_165 = vector.broadcast %jit3A_164 : i32 to vector<512x512xi32>
    %select_n3A_166 = arith.select %eq3A_163, %add3A_161, %broadcast_in_dim3A_165 : vector<512x512xi1>, vector<512x512xi32>
    %reduce_min3A_167 = arith.constant dense<2147483647> : vector<512xi32>
    %reduce_min3A_168 = vector.multi_reduction <minsi>, %select_n3A_166, %reduce_min3A_167 [1] : vector<512x512xi32> to vector<512xi32>
    %broadcast_in_dim3A_169 = vector.shape_cast %reduce_min3A_168 : vector<512xi32> to vector<512x1xi32>
    %lt3A_170 = arith.cmpf olt, %broadcast_in_dim3A_157, %select_n3A_137 : vector<512x1xf32>
    %select_n3A_171 = arith.select %lt3A_170, %broadcast_in_dim3A_169, %select_n3A_136 : vector<512x1xi1>, vector<512x1xi32>
    %select_n3A_172 = arith.select %lt3A_170, %broadcast_in_dim3A_157, %select_n3A_137 : vector<512x1xi1>, vector<512x1xf32>
    %min3A_173 = arith.minimumf %min3A_138, %broadcast_in_dim3A_157 : vector<512x1xf32>
    %get3A_174 = arith.constant 2560 : index
    %get3A_175 = arith.constant 0 : index
    %get3A_176 = vector.load %arg2[%get3A_174, %get3A_175] : memref<8192x64xf32, #tpu.memory_space<vmem>>, vector<512x64xf32>
    %mul3A_177 = arith.mulf %get3A_176, %get3A_176 : vector<512x64xf32>
    %reduce_sum3A_178 = arith.constant dense<0.000000e+00> : vector<512xf32>
    %reduce_sum3A_179 = vector.multi_reduction <add>, %mul3A_177, %reduce_sum3A_178 [1] : vector<512x64xf32> to vector<512xf32>
    %dot_general3A_180 = arith.constant dense<0.000000e+00> : vector<512x512xf32>
    %dot_general3A_181 = tpu.matmul %get3A_1, %get3A_176, %dot_general3A_180 {dimension_numbers = #tpu.dot_dimension_numbers<[1], [1], [0], [0], [0, 0, 1, 0], [], []>, transpose_lhs_hint = false} : vector<512x64xf32>, vector<512x64xf32>, vector<512x512xf32> -> vector<512x512xf32>
    %broadcast_in_dim3A_182 = vector.shape_cast %reduce_sum3A_179 : vector<512xf32> to vector<1x512xf32>
    %add3A_183 = vector.broadcast %broadcast_in_dim3A : vector<512x1xf32> to vector<512x512xf32>
    %add3A_184 = vector.broadcast %broadcast_in_dim3A_182 : vector<1x512xf32> to vector<512x512xf32>
    %add3A_185 = arith.addf %add3A_183, %add3A_184 : vector<512x512xf32>
    %mul3A_186 = arith.constant 2.000000e+00 : f32
    %mul3A_187 = vector.broadcast %mul3A_186 : f32 to vector<512x512xf32>
    %mul3A_188 = arith.mulf %mul3A_187, %dot_general3A_181 : vector<512x512xf32>
    %sub3A_189 = arith.subf %add3A_185, %mul3A_188 : vector<512x512xf32>
    %reduce_min3A_190 = arith.constant dense<0x7F800000> : vector<512xf32>
    %reduce_min3A_191 = vector.multi_reduction <minimumf>, %sub3A_189, %reduce_min3A_190 [1] : vector<512x512xf32> to vector<512xf32>
    %broadcast_in_dim3A_192 = vector.shape_cast %reduce_min3A_191 : vector<512xf32> to vector<512x1xf32>
    %iota3A_193 = tpu.iota {dimensions = array<i32: 1>} : vector<512x512xi32>
    %add3A_194 = arith.constant 2560 : i32
    %add3A_195 = vector.broadcast %add3A_194 : i32 to vector<512x512xi32>
    %add3A_196 = arith.addi %iota3A_193, %add3A_195 : vector<512x512xi32>
    %eq3A_197 = vector.broadcast %broadcast_in_dim3A_192 : vector<512x1xf32> to vector<512x512xf32>
    %eq3A_198 = arith.cmpf oeq, %sub3A_189, %eq3A_197 : vector<512x512xf32>
    %jit3A_199 = arith.constant 1073741824 : i32
    %broadcast_in_dim3A_200 = vector.broadcast %jit3A_199 : i32 to vector<512x512xi32>
    %select_n3A_201 = arith.select %eq3A_198, %add3A_196, %broadcast_in_dim3A_200 : vector<512x512xi1>, vector<512x512xi32>
    %reduce_min3A_202 = arith.constant dense<2147483647> : vector<512xi32>
    %reduce_min3A_203 = vector.multi_reduction <minsi>, %select_n3A_201, %reduce_min3A_202 [1] : vector<512x512xi32> to vector<512xi32>
    %broadcast_in_dim3A_204 = vector.shape_cast %reduce_min3A_203 : vector<512xi32> to vector<512x1xi32>
    %lt3A_205 = arith.cmpf olt, %broadcast_in_dim3A_192, %select_n3A_172 : vector<512x1xf32>
    %select_n3A_206 = arith.select %lt3A_205, %broadcast_in_dim3A_204, %select_n3A_171 : vector<512x1xi1>, vector<512x1xi32>
    %select_n3A_207 = arith.select %lt3A_205, %broadcast_in_dim3A_192, %select_n3A_172 : vector<512x1xi1>, vector<512x1xf32>
    %min3A_208 = arith.minimumf %min3A_173, %broadcast_in_dim3A_192 : vector<512x1xf32>
    %get3A_209 = arith.constant 3072 : index
    %get3A_210 = arith.constant 0 : index
    %get3A_211 = vector.load %arg2[%get3A_209, %get3A_210] : memref<8192x64xf32, #tpu.memory_space<vmem>>, vector<512x64xf32>
    %mul3A_212 = arith.mulf %get3A_211, %get3A_211 : vector<512x64xf32>
    %reduce_sum3A_213 = arith.constant dense<0.000000e+00> : vector<512xf32>
    %reduce_sum3A_214 = vector.multi_reduction <add>, %mul3A_212, %reduce_sum3A_213 [1] : vector<512x64xf32> to vector<512xf32>
    %dot_general3A_215 = arith.constant dense<0.000000e+00> : vector<512x512xf32>
    %dot_general3A_216 = tpu.matmul %get3A_1, %get3A_211, %dot_general3A_215 {dimension_numbers = #tpu.dot_dimension_numbers<[1], [1], [0], [0], [0, 0, 1, 0], [], []>, transpose_lhs_hint = false} : vector<512x64xf32>, vector<512x64xf32>, vector<512x512xf32> -> vector<512x512xf32>
    %broadcast_in_dim3A_217 = vector.shape_cast %reduce_sum3A_214 : vector<512xf32> to vector<1x512xf32>
    %add3A_218 = vector.broadcast %broadcast_in_dim3A : vector<512x1xf32> to vector<512x512xf32>
    %add3A_219 = vector.broadcast %broadcast_in_dim3A_217 : vector<1x512xf32> to vector<512x512xf32>
    %add3A_220 = arith.addf %add3A_218, %add3A_219 : vector<512x512xf32>
    %mul3A_221 = arith.constant 2.000000e+00 : f32
    %mul3A_222 = vector.broadcast %mul3A_221 : f32 to vector<512x512xf32>
    %mul3A_223 = arith.mulf %mul3A_222, %dot_general3A_216 : vector<512x512xf32>
    %sub3A_224 = arith.subf %add3A_220, %mul3A_223 : vector<512x512xf32>
    %reduce_min3A_225 = arith.constant dense<0x7F800000> : vector<512xf32>
    %reduce_min3A_226 = vector.multi_reduction <minimumf>, %sub3A_224, %reduce_min3A_225 [1] : vector<512x512xf32> to vector<512xf32>
    %broadcast_in_dim3A_227 = vector.shape_cast %reduce_min3A_226 : vector<512xf32> to vector<512x1xf32>
    %iota3A_228 = tpu.iota {dimensions = array<i32: 1>} : vector<512x512xi32>
    %add3A_229 = arith.constant 3072 : i32
    %add3A_230 = vector.broadcast %add3A_229 : i32 to vector<512x512xi32>
    %add3A_231 = arith.addi %iota3A_228, %add3A_230 : vector<512x512xi32>
    %eq3A_232 = vector.broadcast %broadcast_in_dim3A_227 : vector<512x1xf32> to vector<512x512xf32>
    %eq3A_233 = arith.cmpf oeq, %sub3A_224, %eq3A_232 : vector<512x512xf32>
    %jit3A_234 = arith.constant 1073741824 : i32
    %broadcast_in_dim3A_235 = vector.broadcast %jit3A_234 : i32 to vector<512x512xi32>
    %select_n3A_236 = arith.select %eq3A_233, %add3A_231, %broadcast_in_dim3A_235 : vector<512x512xi1>, vector<512x512xi32>
    %reduce_min3A_237 = arith.constant dense<2147483647> : vector<512xi32>
    %reduce_min3A_238 = vector.multi_reduction <minsi>, %select_n3A_236, %reduce_min3A_237 [1] : vector<512x512xi32> to vector<512xi32>
    %broadcast_in_dim3A_239 = vector.shape_cast %reduce_min3A_238 : vector<512xi32> to vector<512x1xi32>
    %lt3A_240 = arith.cmpf olt, %broadcast_in_dim3A_227, %select_n3A_207 : vector<512x1xf32>
    %select_n3A_241 = arith.select %lt3A_240, %broadcast_in_dim3A_239, %select_n3A_206 : vector<512x1xi1>, vector<512x1xi32>
    %select_n3A_242 = arith.select %lt3A_240, %broadcast_in_dim3A_227, %select_n3A_207 : vector<512x1xi1>, vector<512x1xf32>
    %min3A_243 = arith.minimumf %min3A_208, %broadcast_in_dim3A_227 : vector<512x1xf32>
    %get3A_244 = arith.constant 3584 : index
    %get3A_245 = arith.constant 0 : index
    %get3A_246 = vector.load %arg2[%get3A_244, %get3A_245] : memref<8192x64xf32, #tpu.memory_space<vmem>>, vector<512x64xf32>
    %mul3A_247 = arith.mulf %get3A_246, %get3A_246 : vector<512x64xf32>
    %reduce_sum3A_248 = arith.constant dense<0.000000e+00> : vector<512xf32>
    %reduce_sum3A_249 = vector.multi_reduction <add>, %mul3A_247, %reduce_sum3A_248 [1] : vector<512x64xf32> to vector<512xf32>
    %dot_general3A_250 = arith.constant dense<0.000000e+00> : vector<512x512xf32>
    %dot_general3A_251 = tpu.matmul %get3A_1, %get3A_246, %dot_general3A_250 {dimension_numbers = #tpu.dot_dimension_numbers<[1], [1], [0], [0], [0, 0, 1, 0], [], []>, transpose_lhs_hint = false} : vector<512x64xf32>, vector<512x64xf32>, vector<512x512xf32> -> vector<512x512xf32>
    %broadcast_in_dim3A_252 = vector.shape_cast %reduce_sum3A_249 : vector<512xf32> to vector<1x512xf32>
    %add3A_253 = vector.broadcast %broadcast_in_dim3A : vector<512x1xf32> to vector<512x512xf32>
    %add3A_254 = vector.broadcast %broadcast_in_dim3A_252 : vector<1x512xf32> to vector<512x512xf32>
    %add3A_255 = arith.addf %add3A_253, %add3A_254 : vector<512x512xf32>
    %mul3A_256 = arith.constant 2.000000e+00 : f32
    %mul3A_257 = vector.broadcast %mul3A_256 : f32 to vector<512x512xf32>
    %mul3A_258 = arith.mulf %mul3A_257, %dot_general3A_251 : vector<512x512xf32>
    %sub3A_259 = arith.subf %add3A_255, %mul3A_258 : vector<512x512xf32>
    %reduce_min3A_260 = arith.constant dense<0x7F800000> : vector<512xf32>
    %reduce_min3A_261 = vector.multi_reduction <minimumf>, %sub3A_259, %reduce_min3A_260 [1] : vector<512x512xf32> to vector<512xf32>
    %broadcast_in_dim3A_262 = vector.shape_cast %reduce_min3A_261 : vector<512xf32> to vector<512x1xf32>
    %iota3A_263 = tpu.iota {dimensions = array<i32: 1>} : vector<512x512xi32>
    %add3A_264 = arith.constant 3584 : i32
    %add3A_265 = vector.broadcast %add3A_264 : i32 to vector<512x512xi32>
    %add3A_266 = arith.addi %iota3A_263, %add3A_265 : vector<512x512xi32>
    %eq3A_267 = vector.broadcast %broadcast_in_dim3A_262 : vector<512x1xf32> to vector<512x512xf32>
    %eq3A_268 = arith.cmpf oeq, %sub3A_259, %eq3A_267 : vector<512x512xf32>
    %jit3A_269 = arith.constant 1073741824 : i32
    %broadcast_in_dim3A_270 = vector.broadcast %jit3A_269 : i32 to vector<512x512xi32>
    %select_n3A_271 = arith.select %eq3A_268, %add3A_266, %broadcast_in_dim3A_270 : vector<512x512xi1>, vector<512x512xi32>
    %reduce_min3A_272 = arith.constant dense<2147483647> : vector<512xi32>
    %reduce_min3A_273 = vector.multi_reduction <minsi>, %select_n3A_271, %reduce_min3A_272 [1] : vector<512x512xi32> to vector<512xi32>
    %broadcast_in_dim3A_274 = vector.shape_cast %reduce_min3A_273 : vector<512xi32> to vector<512x1xi32>
    %lt3A_275 = arith.cmpf olt, %broadcast_in_dim3A_262, %select_n3A_242 : vector<512x1xf32>
    %select_n3A_276 = arith.select %lt3A_275, %broadcast_in_dim3A_274, %select_n3A_241 : vector<512x1xi1>, vector<512x1xi32>
    %select_n3A_277 = arith.select %lt3A_275, %broadcast_in_dim3A_262, %select_n3A_242 : vector<512x1xi1>, vector<512x1xf32>
    %min3A_278 = arith.minimumf %min3A_243, %broadcast_in_dim3A_262 : vector<512x1xf32>
    %convert_element_type3A = arith.truncf %select_n3A_277 : vector<512x1xf32> to vector<512x1xbf16>
    %convert_element_type3A_279 = arith.extf %convert_element_type3A : vector<512x1xbf16> to vector<512x1xf32>
    %get3A_280 = arith.constant 4096 : index
    %get3A_281 = arith.constant 0 : index
    %get3A_282 = vector.load %arg2[%get3A_280, %get3A_281] : memref<8192x64xf32, #tpu.memory_space<vmem>>, vector<512x64xf32>
    %mul3A_283 = arith.mulf %get3A_282, %get3A_282 : vector<512x64xf32>
    %reduce_sum3A_284 = arith.constant dense<0.000000e+00> : vector<512xf32>
    %reduce_sum3A_285 = vector.multi_reduction <add>, %mul3A_283, %reduce_sum3A_284 [1] : vector<512x64xf32> to vector<512xf32>
    %dot_general3A_286 = arith.constant dense<0.000000e+00> : vector<512x512xf32>
    %dot_general3A_287 = tpu.matmul %get3A_1, %get3A_282, %dot_general3A_286 {dimension_numbers = #tpu.dot_dimension_numbers<[1], [1], [0], [0], [0, 0, 1, 0], [], []>, transpose_lhs_hint = false} : vector<512x64xf32>, vector<512x64xf32>, vector<512x512xf32> -> vector<512x512xf32>
    %broadcast_in_dim3A_288 = vector.shape_cast %reduce_sum3A_285 : vector<512xf32> to vector<1x512xf32>
    %add3A_289 = vector.broadcast %broadcast_in_dim3A : vector<512x1xf32> to vector<512x512xf32>
    %add3A_290 = vector.broadcast %broadcast_in_dim3A_288 : vector<1x512xf32> to vector<512x512xf32>
    %add3A_291 = arith.addf %add3A_289, %add3A_290 : vector<512x512xf32>
    %mul3A_292 = arith.constant 2.000000e+00 : f32
    %mul3A_293 = vector.broadcast %mul3A_292 : f32 to vector<512x512xf32>
    %mul3A_294 = arith.mulf %mul3A_293, %dot_general3A_287 : vector<512x512xf32>
    %sub3A_295 = arith.subf %add3A_291, %mul3A_294 : vector<512x512xf32>
    %reduce_min3A_296 = arith.constant dense<0x7F800000> : vector<512xf32>
    %reduce_min3A_297 = vector.multi_reduction <minimumf>, %sub3A_295, %reduce_min3A_296 [1] : vector<512x512xf32> to vector<512xf32>
    %broadcast_in_dim3A_298 = vector.shape_cast %reduce_min3A_297 : vector<512xf32> to vector<512x1xf32>
    %iota3A_299 = tpu.iota {dimensions = array<i32: 1>} : vector<512x512xi32>
    %add3A_300 = arith.constant 4096 : i32
    %add3A_301 = vector.broadcast %add3A_300 : i32 to vector<512x512xi32>
    %add3A_302 = arith.addi %iota3A_299, %add3A_301 : vector<512x512xi32>
    %eq3A_303 = vector.broadcast %broadcast_in_dim3A_298 : vector<512x1xf32> to vector<512x512xf32>
    %eq3A_304 = arith.cmpf oeq, %sub3A_295, %eq3A_303 : vector<512x512xf32>
    %jit3A_305 = arith.constant 1073741824 : i32
    %broadcast_in_dim3A_306 = vector.broadcast %jit3A_305 : i32 to vector<512x512xi32>
    %select_n3A_307 = arith.select %eq3A_304, %add3A_302, %broadcast_in_dim3A_306 : vector<512x512xi1>, vector<512x512xi32>
    %reduce_min3A_308 = arith.constant dense<2147483647> : vector<512xi32>
    %reduce_min3A_309 = vector.multi_reduction <minsi>, %select_n3A_307, %reduce_min3A_308 [1] : vector<512x512xi32> to vector<512xi32>
    %broadcast_in_dim3A_310 = vector.shape_cast %reduce_min3A_309 : vector<512xi32> to vector<512x1xi32>
    %lt3A_311 = arith.cmpf olt, %broadcast_in_dim3A_298, %convert_element_type3A_279 : vector<512x1xf32>
    %select_n3A_312 = arith.select %lt3A_311, %broadcast_in_dim3A_310, %select_n3A_276 : vector<512x1xi1>, vector<512x1xi32>
    %select_n3A_313 = arith.select %lt3A_311, %broadcast_in_dim3A_298, %convert_element_type3A_279 : vector<512x1xi1>, vector<512x1xf32>
    %min3A_314 = arith.minimumf %min3A_278, %broadcast_in_dim3A_298 : vector<512x1xf32>
    %get3A_315 = arith.constant 4608 : index
    %get3A_316 = arith.constant 0 : index
    %get3A_317 = vector.load %arg2[%get3A_315, %get3A_316] : memref<8192x64xf32, #tpu.memory_space<vmem>>, vector<512x64xf32>
    %mul3A_318 = arith.mulf %get3A_317, %get3A_317 : vector<512x64xf32>
    %reduce_sum3A_319 = arith.constant dense<0.000000e+00> : vector<512xf32>
    %reduce_sum3A_320 = vector.multi_reduction <add>, %mul3A_318, %reduce_sum3A_319 [1] : vector<512x64xf32> to vector<512xf32>
    %dot_general3A_321 = arith.constant dense<0.000000e+00> : vector<512x512xf32>
    %dot_general3A_322 = tpu.matmul %get3A_1, %get3A_317, %dot_general3A_321 {dimension_numbers = #tpu.dot_dimension_numbers<[1], [1], [0], [0], [0, 0, 1, 0], [], []>, transpose_lhs_hint = false} : vector<512x64xf32>, vector<512x64xf32>, vector<512x512xf32> -> vector<512x512xf32>
    %broadcast_in_dim3A_323 = vector.shape_cast %reduce_sum3A_320 : vector<512xf32> to vector<1x512xf32>
    %add3A_324 = vector.broadcast %broadcast_in_dim3A : vector<512x1xf32> to vector<512x512xf32>
    %add3A_325 = vector.broadcast %broadcast_in_dim3A_323 : vector<1x512xf32> to vector<512x512xf32>
    %add3A_326 = arith.addf %add3A_324, %add3A_325 : vector<512x512xf32>
    %mul3A_327 = arith.constant 2.000000e+00 : f32
    %mul3A_328 = vector.broadcast %mul3A_327 : f32 to vector<512x512xf32>
    %mul3A_329 = arith.mulf %mul3A_328, %dot_general3A_322 : vector<512x512xf32>
    %sub3A_330 = arith.subf %add3A_326, %mul3A_329 : vector<512x512xf32>
    %reduce_min3A_331 = arith.constant dense<0x7F800000> : vector<512xf32>
    %reduce_min3A_332 = vector.multi_reduction <minimumf>, %sub3A_330, %reduce_min3A_331 [1] : vector<512x512xf32> to vector<512xf32>
    %broadcast_in_dim3A_333 = vector.shape_cast %reduce_min3A_332 : vector<512xf32> to vector<512x1xf32>
    %iota3A_334 = tpu.iota {dimensions = array<i32: 1>} : vector<512x512xi32>
    %add3A_335 = arith.constant 4608 : i32
    %add3A_336 = vector.broadcast %add3A_335 : i32 to vector<512x512xi32>
    %add3A_337 = arith.addi %iota3A_334, %add3A_336 : vector<512x512xi32>
    %eq3A_338 = vector.broadcast %broadcast_in_dim3A_333 : vector<512x1xf32> to vector<512x512xf32>
    %eq3A_339 = arith.cmpf oeq, %sub3A_330, %eq3A_338 : vector<512x512xf32>
    %jit3A_340 = arith.constant 1073741824 : i32
    %broadcast_in_dim3A_341 = vector.broadcast %jit3A_340 : i32 to vector<512x512xi32>
    %select_n3A_342 = arith.select %eq3A_339, %add3A_337, %broadcast_in_dim3A_341 : vector<512x512xi1>, vector<512x512xi32>
    %reduce_min3A_343 = arith.constant dense<2147483647> : vector<512xi32>
    %reduce_min3A_344 = vector.multi_reduction <minsi>, %select_n3A_342, %reduce_min3A_343 [1] : vector<512x512xi32> to vector<512xi32>
    %broadcast_in_dim3A_345 = vector.shape_cast %reduce_min3A_344 : vector<512xi32> to vector<512x1xi32>
    %lt3A_346 = arith.cmpf olt, %broadcast_in_dim3A_333, %select_n3A_313 : vector<512x1xf32>
    %select_n3A_347 = arith.select %lt3A_346, %broadcast_in_dim3A_345, %select_n3A_312 : vector<512x1xi1>, vector<512x1xi32>
    %select_n3A_348 = arith.select %lt3A_346, %broadcast_in_dim3A_333, %select_n3A_313 : vector<512x1xi1>, vector<512x1xf32>
    %min3A_349 = arith.minimumf %min3A_314, %broadcast_in_dim3A_333 : vector<512x1xf32>
    %get3A_350 = arith.constant 5120 : index
    %get3A_351 = arith.constant 0 : index
    %get3A_352 = vector.load %arg2[%get3A_350, %get3A_351] : memref<8192x64xf32, #tpu.memory_space<vmem>>, vector<512x64xf32>
    %mul3A_353 = arith.mulf %get3A_352, %get3A_352 : vector<512x64xf32>
    %reduce_sum3A_354 = arith.constant dense<0.000000e+00> : vector<512xf32>
    %reduce_sum3A_355 = vector.multi_reduction <add>, %mul3A_353, %reduce_sum3A_354 [1] : vector<512x64xf32> to vector<512xf32>
    %dot_general3A_356 = arith.constant dense<0.000000e+00> : vector<512x512xf32>
    %dot_general3A_357 = tpu.matmul %get3A_1, %get3A_352, %dot_general3A_356 {dimension_numbers = #tpu.dot_dimension_numbers<[1], [1], [0], [0], [0, 0, 1, 0], [], []>, transpose_lhs_hint = false} : vector<512x64xf32>, vector<512x64xf32>, vector<512x512xf32> -> vector<512x512xf32>
    %broadcast_in_dim3A_358 = vector.shape_cast %reduce_sum3A_355 : vector<512xf32> to vector<1x512xf32>
    %add3A_359 = vector.broadcast %broadcast_in_dim3A : vector<512x1xf32> to vector<512x512xf32>
    %add3A_360 = vector.broadcast %broadcast_in_dim3A_358 : vector<1x512xf32> to vector<512x512xf32>
    %add3A_361 = arith.addf %add3A_359, %add3A_360 : vector<512x512xf32>
    %mul3A_362 = arith.constant 2.000000e+00 : f32
    %mul3A_363 = vector.broadcast %mul3A_362 : f32 to vector<512x512xf32>
    %mul3A_364 = arith.mulf %mul3A_363, %dot_general3A_357 : vector<512x512xf32>
    %sub3A_365 = arith.subf %add3A_361, %mul3A_364 : vector<512x512xf32>
    %reduce_min3A_366 = arith.constant dense<0x7F800000> : vector<512xf32>
    %reduce_min3A_367 = vector.multi_reduction <minimumf>, %sub3A_365, %reduce_min3A_366 [1] : vector<512x512xf32> to vector<512xf32>
    %broadcast_in_dim3A_368 = vector.shape_cast %reduce_min3A_367 : vector<512xf32> to vector<512x1xf32>
    %iota3A_369 = tpu.iota {dimensions = array<i32: 1>} : vector<512x512xi32>
    %add3A_370 = arith.constant 5120 : i32
    %add3A_371 = vector.broadcast %add3A_370 : i32 to vector<512x512xi32>
    %add3A_372 = arith.addi %iota3A_369, %add3A_371 : vector<512x512xi32>
    %eq3A_373 = vector.broadcast %broadcast_in_dim3A_368 : vector<512x1xf32> to vector<512x512xf32>
    %eq3A_374 = arith.cmpf oeq, %sub3A_365, %eq3A_373 : vector<512x512xf32>
    %jit3A_375 = arith.constant 1073741824 : i32
    %broadcast_in_dim3A_376 = vector.broadcast %jit3A_375 : i32 to vector<512x512xi32>
    %select_n3A_377 = arith.select %eq3A_374, %add3A_372, %broadcast_in_dim3A_376 : vector<512x512xi1>, vector<512x512xi32>
    %reduce_min3A_378 = arith.constant dense<2147483647> : vector<512xi32>
    %reduce_min3A_379 = vector.multi_reduction <minsi>, %select_n3A_377, %reduce_min3A_378 [1] : vector<512x512xi32> to vector<512xi32>
    %broadcast_in_dim3A_380 = vector.shape_cast %reduce_min3A_379 : vector<512xi32> to vector<512x1xi32>
    %lt3A_381 = arith.cmpf olt, %broadcast_in_dim3A_368, %select_n3A_348 : vector<512x1xf32>
    %select_n3A_382 = arith.select %lt3A_381, %broadcast_in_dim3A_380, %select_n3A_347 : vector<512x1xi1>, vector<512x1xi32>
    %select_n3A_383 = arith.select %lt3A_381, %broadcast_in_dim3A_368, %select_n3A_348 : vector<512x1xi1>, vector<512x1xf32>
    %min3A_384 = arith.minimumf %min3A_349, %broadcast_in_dim3A_368 : vector<512x1xf32>
    %get3A_385 = arith.constant 5632 : index
    %get3A_386 = arith.constant 0 : index
    %get3A_387 = vector.load %arg2[%get3A_385, %get3A_386] : memref<8192x64xf32, #tpu.memory_space<vmem>>, vector<512x64xf32>
    %mul3A_388 = arith.mulf %get3A_387, %get3A_387 : vector<512x64xf32>
    %reduce_sum3A_389 = arith.constant dense<0.000000e+00> : vector<512xf32>
    %reduce_sum3A_390 = vector.multi_reduction <add>, %mul3A_388, %reduce_sum3A_389 [1] : vector<512x64xf32> to vector<512xf32>
    %dot_general3A_391 = arith.constant dense<0.000000e+00> : vector<512x512xf32>
    %dot_general3A_392 = tpu.matmul %get3A_1, %get3A_387, %dot_general3A_391 {dimension_numbers = #tpu.dot_dimension_numbers<[1], [1], [0], [0], [0, 0, 1, 0], [], []>, transpose_lhs_hint = false} : vector<512x64xf32>, vector<512x64xf32>, vector<512x512xf32> -> vector<512x512xf32>
    %broadcast_in_dim3A_393 = vector.shape_cast %reduce_sum3A_390 : vector<512xf32> to vector<1x512xf32>
    %add3A_394 = vector.broadcast %broadcast_in_dim3A : vector<512x1xf32> to vector<512x512xf32>
    %add3A_395 = vector.broadcast %broadcast_in_dim3A_393 : vector<1x512xf32> to vector<512x512xf32>
    %add3A_396 = arith.addf %add3A_394, %add3A_395 : vector<512x512xf32>
    %mul3A_397 = arith.constant 2.000000e+00 : f32
    %mul3A_398 = vector.broadcast %mul3A_397 : f32 to vector<512x512xf32>
    %mul3A_399 = arith.mulf %mul3A_398, %dot_general3A_392 : vector<512x512xf32>
    %sub3A_400 = arith.subf %add3A_396, %mul3A_399 : vector<512x512xf32>
    %reduce_min3A_401 = arith.constant dense<0x7F800000> : vector<512xf32>
    %reduce_min3A_402 = vector.multi_reduction <minimumf>, %sub3A_400, %reduce_min3A_401 [1] : vector<512x512xf32> to vector<512xf32>
    %broadcast_in_dim3A_403 = vector.shape_cast %reduce_min3A_402 : vector<512xf32> to vector<512x1xf32>
    %iota3A_404 = tpu.iota {dimensions = array<i32: 1>} : vector<512x512xi32>
    %add3A_405 = arith.constant 5632 : i32
    %add3A_406 = vector.broadcast %add3A_405 : i32 to vector<512x512xi32>
    %add3A_407 = arith.addi %iota3A_404, %add3A_406 : vector<512x512xi32>
    %eq3A_408 = vector.broadcast %broadcast_in_dim3A_403 : vector<512x1xf32> to vector<512x512xf32>
    %eq3A_409 = arith.cmpf oeq, %sub3A_400, %eq3A_408 : vector<512x512xf32>
    %jit3A_410 = arith.constant 1073741824 : i32
    %broadcast_in_dim3A_411 = vector.broadcast %jit3A_410 : i32 to vector<512x512xi32>
    %select_n3A_412 = arith.select %eq3A_409, %add3A_407, %broadcast_in_dim3A_411 : vector<512x512xi1>, vector<512x512xi32>
    %reduce_min3A_413 = arith.constant dense<2147483647> : vector<512xi32>
    %reduce_min3A_414 = vector.multi_reduction <minsi>, %select_n3A_412, %reduce_min3A_413 [1] : vector<512x512xi32> to vector<512xi32>
    %broadcast_in_dim3A_415 = vector.shape_cast %reduce_min3A_414 : vector<512xi32> to vector<512x1xi32>
    %lt3A_416 = arith.cmpf olt, %broadcast_in_dim3A_403, %select_n3A_383 : vector<512x1xf32>
    %select_n3A_417 = arith.select %lt3A_416, %broadcast_in_dim3A_415, %select_n3A_382 : vector<512x1xi1>, vector<512x1xi32>
    %select_n3A_418 = arith.select %lt3A_416, %broadcast_in_dim3A_403, %select_n3A_383 : vector<512x1xi1>, vector<512x1xf32>
    %min3A_419 = arith.minimumf %min3A_384, %broadcast_in_dim3A_403 : vector<512x1xf32>
    %get3A_420 = arith.constant 6144 : index
    %get3A_421 = arith.constant 0 : index
    %get3A_422 = vector.load %arg2[%get3A_420, %get3A_421] : memref<8192x64xf32, #tpu.memory_space<vmem>>, vector<512x64xf32>
    %mul3A_423 = arith.mulf %get3A_422, %get3A_422 : vector<512x64xf32>
    %reduce_sum3A_424 = arith.constant dense<0.000000e+00> : vector<512xf32>
    %reduce_sum3A_425 = vector.multi_reduction <add>, %mul3A_423, %reduce_sum3A_424 [1] : vector<512x64xf32> to vector<512xf32>
    %dot_general3A_426 = arith.constant dense<0.000000e+00> : vector<512x512xf32>
    %dot_general3A_427 = tpu.matmul %get3A_1, %get3A_422, %dot_general3A_426 {dimension_numbers = #tpu.dot_dimension_numbers<[1], [1], [0], [0], [0, 0, 1, 0], [], []>, transpose_lhs_hint = false} : vector<512x64xf32>, vector<512x64xf32>, vector<512x512xf32> -> vector<512x512xf32>
    %broadcast_in_dim3A_428 = vector.shape_cast %reduce_sum3A_425 : vector<512xf32> to vector<1x512xf32>
    %add3A_429 = vector.broadcast %broadcast_in_dim3A : vector<512x1xf32> to vector<512x512xf32>
    %add3A_430 = vector.broadcast %broadcast_in_dim3A_428 : vector<1x512xf32> to vector<512x512xf32>
    %add3A_431 = arith.addf %add3A_429, %add3A_430 : vector<512x512xf32>
    %mul3A_432 = arith.constant 2.000000e+00 : f32
    %mul3A_433 = vector.broadcast %mul3A_432 : f32 to vector<512x512xf32>
    %mul3A_434 = arith.mulf %mul3A_433, %dot_general3A_427 : vector<512x512xf32>
    %sub3A_435 = arith.subf %add3A_431, %mul3A_434 : vector<512x512xf32>
    %reduce_min3A_436 = arith.constant dense<0x7F800000> : vector<512xf32>
    %reduce_min3A_437 = vector.multi_reduction <minimumf>, %sub3A_435, %reduce_min3A_436 [1] : vector<512x512xf32> to vector<512xf32>
    %broadcast_in_dim3A_438 = vector.shape_cast %reduce_min3A_437 : vector<512xf32> to vector<512x1xf32>
    %iota3A_439 = tpu.iota {dimensions = array<i32: 1>} : vector<512x512xi32>
    %add3A_440 = arith.constant 6144 : i32
    %add3A_441 = vector.broadcast %add3A_440 : i32 to vector<512x512xi32>
    %add3A_442 = arith.addi %iota3A_439, %add3A_441 : vector<512x512xi32>
    %eq3A_443 = vector.broadcast %broadcast_in_dim3A_438 : vector<512x1xf32> to vector<512x512xf32>
    %eq3A_444 = arith.cmpf oeq, %sub3A_435, %eq3A_443 : vector<512x512xf32>
    %jit3A_445 = arith.constant 1073741824 : i32
    %broadcast_in_dim3A_446 = vector.broadcast %jit3A_445 : i32 to vector<512x512xi32>
    %select_n3A_447 = arith.select %eq3A_444, %add3A_442, %broadcast_in_dim3A_446 : vector<512x512xi1>, vector<512x512xi32>
    %reduce_min3A_448 = arith.constant dense<2147483647> : vector<512xi32>
    %reduce_min3A_449 = vector.multi_reduction <minsi>, %select_n3A_447, %reduce_min3A_448 [1] : vector<512x512xi32> to vector<512xi32>
    %broadcast_in_dim3A_450 = vector.shape_cast %reduce_min3A_449 : vector<512xi32> to vector<512x1xi32>
    %lt3A_451 = arith.cmpf olt, %broadcast_in_dim3A_438, %select_n3A_418 : vector<512x1xf32>
    %select_n3A_452 = arith.select %lt3A_451, %broadcast_in_dim3A_450, %select_n3A_417 : vector<512x1xi1>, vector<512x1xi32>
    %select_n3A_453 = arith.select %lt3A_451, %broadcast_in_dim3A_438, %select_n3A_418 : vector<512x1xi1>, vector<512x1xf32>
    %min3A_454 = arith.minimumf %min3A_419, %broadcast_in_dim3A_438 : vector<512x1xf32>
    %get3A_455 = arith.constant 6656 : index
    %get3A_456 = arith.constant 0 : index
    %get3A_457 = vector.load %arg2[%get3A_455, %get3A_456] : memref<8192x64xf32, #tpu.memory_space<vmem>>, vector<512x64xf32>
    %mul3A_458 = arith.mulf %get3A_457, %get3A_457 : vector<512x64xf32>
    %reduce_sum3A_459 = arith.constant dense<0.000000e+00> : vector<512xf32>
    %reduce_sum3A_460 = vector.multi_reduction <add>, %mul3A_458, %reduce_sum3A_459 [1] : vector<512x64xf32> to vector<512xf32>
    %dot_general3A_461 = arith.constant dense<0.000000e+00> : vector<512x512xf32>
    %dot_general3A_462 = tpu.matmul %get3A_1, %get3A_457, %dot_general3A_461 {dimension_numbers = #tpu.dot_dimension_numbers<[1], [1], [0], [0], [0, 0, 1, 0], [], []>, transpose_lhs_hint = false} : vector<512x64xf32>, vector<512x64xf32>, vector<512x512xf32> -> vector<512x512xf32>
    %broadcast_in_dim3A_463 = vector.shape_cast %reduce_sum3A_460 : vector<512xf32> to vector<1x512xf32>
    %add3A_464 = vector.broadcast %broadcast_in_dim3A : vector<512x1xf32> to vector<512x512xf32>
    %add3A_465 = vector.broadcast %broadcast_in_dim3A_463 : vector<1x512xf32> to vector<512x512xf32>
    %add3A_466 = arith.addf %add3A_464, %add3A_465 : vector<512x512xf32>
    %mul3A_467 = arith.constant 2.000000e+00 : f32
    %mul3A_468 = vector.broadcast %mul3A_467 : f32 to vector<512x512xf32>
    %mul3A_469 = arith.mulf %mul3A_468, %dot_general3A_462 : vector<512x512xf32>
    %sub3A_470 = arith.subf %add3A_466, %mul3A_469 : vector<512x512xf32>
    %reduce_min3A_471 = arith.constant dense<0x7F800000> : vector<512xf32>
    %reduce_min3A_472 = vector.multi_reduction <minimumf>, %sub3A_470, %reduce_min3A_471 [1] : vector<512x512xf32> to vector<512xf32>
    %broadcast_in_dim3A_473 = vector.shape_cast %reduce_min3A_472 : vector<512xf32> to vector<512x1xf32>
    %iota3A_474 = tpu.iota {dimensions = array<i32: 1>} : vector<512x512xi32>
    %add3A_475 = arith.constant 6656 : i32
    %add3A_476 = vector.broadcast %add3A_475 : i32 to vector<512x512xi32>
    %add3A_477 = arith.addi %iota3A_474, %add3A_476 : vector<512x512xi32>
    %eq3A_478 = vector.broadcast %broadcast_in_dim3A_473 : vector<512x1xf32> to vector<512x512xf32>
    %eq3A_479 = arith.cmpf oeq, %sub3A_470, %eq3A_478 : vector<512x512xf32>
    %jit3A_480 = arith.constant 1073741824 : i32
    %broadcast_in_dim3A_481 = vector.broadcast %jit3A_480 : i32 to vector<512x512xi32>
    %select_n3A_482 = arith.select %eq3A_479, %add3A_477, %broadcast_in_dim3A_481 : vector<512x512xi1>, vector<512x512xi32>
    %reduce_min3A_483 = arith.constant dense<2147483647> : vector<512xi32>
    %reduce_min3A_484 = vector.multi_reduction <minsi>, %select_n3A_482, %reduce_min3A_483 [1] : vector<512x512xi32> to vector<512xi32>
    %broadcast_in_dim3A_485 = vector.shape_cast %reduce_min3A_484 : vector<512xi32> to vector<512x1xi32>
    %lt3A_486 = arith.cmpf olt, %broadcast_in_dim3A_473, %select_n3A_453 : vector<512x1xf32>
    %select_n3A_487 = arith.select %lt3A_486, %broadcast_in_dim3A_485, %select_n3A_452 : vector<512x1xi1>, vector<512x1xi32>
    %select_n3A_488 = arith.select %lt3A_486, %broadcast_in_dim3A_473, %select_n3A_453 : vector<512x1xi1>, vector<512x1xf32>
    %min3A_489 = arith.minimumf %min3A_454, %broadcast_in_dim3A_473 : vector<512x1xf32>
    %get3A_490 = arith.constant 7168 : index
    %get3A_491 = arith.constant 0 : index
    %get3A_492 = vector.load %arg2[%get3A_490, %get3A_491] : memref<8192x64xf32, #tpu.memory_space<vmem>>, vector<512x64xf32>
    %mul3A_493 = arith.mulf %get3A_492, %get3A_492 : vector<512x64xf32>
    %reduce_sum3A_494 = arith.constant dense<0.000000e+00> : vector<512xf32>
    %reduce_sum3A_495 = vector.multi_reduction <add>, %mul3A_493, %reduce_sum3A_494 [1] : vector<512x64xf32> to vector<512xf32>
    %dot_general3A_496 = arith.constant dense<0.000000e+00> : vector<512x512xf32>
    %dot_general3A_497 = tpu.matmul %get3A_1, %get3A_492, %dot_general3A_496 {dimension_numbers = #tpu.dot_dimension_numbers<[1], [1], [0], [0], [0, 0, 1, 0], [], []>, transpose_lhs_hint = false} : vector<512x64xf32>, vector<512x64xf32>, vector<512x512xf32> -> vector<512x512xf32>
    %broadcast_in_dim3A_498 = vector.shape_cast %reduce_sum3A_495 : vector<512xf32> to vector<1x512xf32>
    %add3A_499 = vector.broadcast %broadcast_in_dim3A : vector<512x1xf32> to vector<512x512xf32>
    %add3A_500 = vector.broadcast %broadcast_in_dim3A_498 : vector<1x512xf32> to vector<512x512xf32>
    %add3A_501 = arith.addf %add3A_499, %add3A_500 : vector<512x512xf32>
    %mul3A_502 = arith.constant 2.000000e+00 : f32
    %mul3A_503 = vector.broadcast %mul3A_502 : f32 to vector<512x512xf32>
    %mul3A_504 = arith.mulf %mul3A_503, %dot_general3A_497 : vector<512x512xf32>
    %sub3A_505 = arith.subf %add3A_501, %mul3A_504 : vector<512x512xf32>
    %reduce_min3A_506 = arith.constant dense<0x7F800000> : vector<512xf32>
    %reduce_min3A_507 = vector.multi_reduction <minimumf>, %sub3A_505, %reduce_min3A_506 [1] : vector<512x512xf32> to vector<512xf32>
    %broadcast_in_dim3A_508 = vector.shape_cast %reduce_min3A_507 : vector<512xf32> to vector<512x1xf32>
    %iota3A_509 = tpu.iota {dimensions = array<i32: 1>} : vector<512x512xi32>
    %add3A_510 = arith.constant 7168 : i32
    %add3A_511 = vector.broadcast %add3A_510 : i32 to vector<512x512xi32>
    %add3A_512 = arith.addi %iota3A_509, %add3A_511 : vector<512x512xi32>
    %eq3A_513 = vector.broadcast %broadcast_in_dim3A_508 : vector<512x1xf32> to vector<512x512xf32>
    %eq3A_514 = arith.cmpf oeq, %sub3A_505, %eq3A_513 : vector<512x512xf32>
    %jit3A_515 = arith.constant 1073741824 : i32
    %broadcast_in_dim3A_516 = vector.broadcast %jit3A_515 : i32 to vector<512x512xi32>
    %select_n3A_517 = arith.select %eq3A_514, %add3A_512, %broadcast_in_dim3A_516 : vector<512x512xi1>, vector<512x512xi32>
    %reduce_min3A_518 = arith.constant dense<2147483647> : vector<512xi32>
    %reduce_min3A_519 = vector.multi_reduction <minsi>, %select_n3A_517, %reduce_min3A_518 [1] : vector<512x512xi32> to vector<512xi32>
    %broadcast_in_dim3A_520 = vector.shape_cast %reduce_min3A_519 : vector<512xi32> to vector<512x1xi32>
    %lt3A_521 = arith.cmpf olt, %broadcast_in_dim3A_508, %select_n3A_488 : vector<512x1xf32>
    %select_n3A_522 = arith.select %lt3A_521, %broadcast_in_dim3A_520, %select_n3A_487 : vector<512x1xi1>, vector<512x1xi32>
    %select_n3A_523 = arith.select %lt3A_521, %broadcast_in_dim3A_508, %select_n3A_488 : vector<512x1xi1>, vector<512x1xf32>
    %min3A_524 = arith.minimumf %min3A_489, %broadcast_in_dim3A_508 : vector<512x1xf32>
    %get3A_525 = arith.constant 7680 : index
    %get3A_526 = arith.constant 0 : index
    %get3A_527 = vector.load %arg2[%get3A_525, %get3A_526] : memref<8192x64xf32, #tpu.memory_space<vmem>>, vector<512x64xf32>
    %mul3A_528 = arith.mulf %get3A_527, %get3A_527 : vector<512x64xf32>
    %reduce_sum3A_529 = arith.constant dense<0.000000e+00> : vector<512xf32>
    %reduce_sum3A_530 = vector.multi_reduction <add>, %mul3A_528, %reduce_sum3A_529 [1] : vector<512x64xf32> to vector<512xf32>
    %dot_general3A_531 = arith.constant dense<0.000000e+00> : vector<512x512xf32>
    %dot_general3A_532 = tpu.matmul %get3A_1, %get3A_527, %dot_general3A_531 {dimension_numbers = #tpu.dot_dimension_numbers<[1], [1], [0], [0], [0, 0, 1, 0], [], []>, transpose_lhs_hint = false} : vector<512x64xf32>, vector<512x64xf32>, vector<512x512xf32> -> vector<512x512xf32>
    %broadcast_in_dim3A_533 = vector.shape_cast %reduce_sum3A_530 : vector<512xf32> to vector<1x512xf32>
    %add3A_534 = vector.broadcast %broadcast_in_dim3A : vector<512x1xf32> to vector<512x512xf32>
    %add3A_535 = vector.broadcast %broadcast_in_dim3A_533 : vector<1x512xf32> to vector<512x512xf32>
    %add3A_536 = arith.addf %add3A_534, %add3A_535 : vector<512x512xf32>
    %mul3A_537 = arith.constant 2.000000e+00 : f32
    %mul3A_538 = vector.broadcast %mul3A_537 : f32 to vector<512x512xf32>
    %mul3A_539 = arith.mulf %mul3A_538, %dot_general3A_532 : vector<512x512xf32>
    %sub3A_540 = arith.subf %add3A_536, %mul3A_539 : vector<512x512xf32>
    %reduce_min3A_541 = arith.constant dense<0x7F800000> : vector<512xf32>
    %reduce_min3A_542 = vector.multi_reduction <minimumf>, %sub3A_540, %reduce_min3A_541 [1] : vector<512x512xf32> to vector<512xf32>
    %broadcast_in_dim3A_543 = vector.shape_cast %reduce_min3A_542 : vector<512xf32> to vector<512x1xf32>
    %iota3A_544 = tpu.iota {dimensions = array<i32: 1>} : vector<512x512xi32>
    %add3A_545 = arith.constant 7680 : i32
    %add3A_546 = vector.broadcast %add3A_545 : i32 to vector<512x512xi32>
    %add3A_547 = arith.addi %iota3A_544, %add3A_546 : vector<512x512xi32>
    %eq3A_548 = vector.broadcast %broadcast_in_dim3A_543 : vector<512x1xf32> to vector<512x512xf32>
    %eq3A_549 = arith.cmpf oeq, %sub3A_540, %eq3A_548 : vector<512x512xf32>
    %jit3A_550 = arith.constant 1073741824 : i32
    %broadcast_in_dim3A_551 = vector.broadcast %jit3A_550 : i32 to vector<512x512xi32>
    %select_n3A_552 = arith.select %eq3A_549, %add3A_547, %broadcast_in_dim3A_551 : vector<512x512xi1>, vector<512x512xi32>
    %reduce_min3A_553 = arith.constant dense<2147483647> : vector<512xi32>
    %reduce_min3A_554 = vector.multi_reduction <minsi>, %select_n3A_552, %reduce_min3A_553 [1] : vector<512x512xi32> to vector<512xi32>
    %broadcast_in_dim3A_555 = vector.shape_cast %reduce_min3A_554 : vector<512xi32> to vector<512x1xi32>
    %lt3A_556 = arith.cmpf olt, %broadcast_in_dim3A_543, %select_n3A_523 : vector<512x1xf32>
    %select_n3A_557 = arith.select %lt3A_556, %broadcast_in_dim3A_555, %select_n3A_522 : vector<512x1xi1>, vector<512x1xi32>
    %min3A_558 = arith.minimumf %min3A_524, %broadcast_in_dim3A_543 : vector<512x1xf32>
    %squeeze3A = vector.shape_cast %select_n3A_557 : vector<512x1xi32> to vector<512xi32>
    %swap3A = arith.constant 0 : index
    %swap3A_559 = arith.constant 0 : index
    %swap3A_560 = arith.constant 0 : index
    %swap3A_561 = vector.load %arg3[%swap3A, %swap3A_559, %swap3A_560] : memref<1x1x512xi32, #tpu.memory_space<vmem>>, vector<1x1x512xi32>
    %swap3A_562 = vector.shape_cast %swap3A_561 : vector<1x1x512xi32> to vector<512xi32>
    %swap3A_563 = vector.shape_cast %squeeze3A : vector<512xi32> to vector<1x1x512xi32>
    tpu.vector_store %arg3[%swap3A, %swap3A_559, %swap3A_560], %swap3A_563 {strides = array<i32>} : memref<1x1x512xi32, #tpu.memory_space<vmem>>, vector<1x1x512xi32>,
    %eq3A_564 = arith.constant 0 : i32
    %eq3A_565 = arith.cmpi eq, %arg0, %eq3A_564 : i32
    %convert_element_type3A_566 = arith.extui %eq3A_565 : i1 to i32
    %cond3A = arith.constant 0 : i32
    %cond3A_567 = arith.cmpi ne, %convert_element_type3A_566, %cond3A : i32
    scf.if %cond3A_567 {
      %swap3A_583 = arith.constant 0.000000e+00 : f32
      %swap3A_584 = arith.constant 0 : index
      %swap3A_585 = memref.load %arg5[%swap3A_584] : memref<1xf32, #tpu.memory_space<smem>>
      memref.store %swap3A_583, %arg5[%swap3A_584] : memref<1xf32, #tpu.memory_space<smem>>
    } else {
    }
    %get3A_568 = arith.constant 0 : index
    %get3A_569 = memref.load %arg5[%get3A_568] : memref<1xf32, #tpu.memory_space<smem>>
    %reduce_sum3A_570 = vector.shape_cast %min3A_558 : vector<512x1xf32> to vector<1x512x1xf32>
    %reduce_sum3A_571 = arith.constant dense<0.000000e+00> : vector<1xf32>
    %reduce_sum3A_572 = vector.multi_reduction <add>, %reduce_sum3A_570, %reduce_sum3A_571 [1, 2] : vector<1x512x1xf32> to vector<1xf32>
    %reduce_sum3A_573 = vector.shape_cast %reduce_sum3A_572 : vector<1xf32> to vector<1x1x1xf32>
    %reduce_sum3A_574 = vector.extract %reduce_sum3A_573[0, 0, 0] : f32 from vector<1x1x1xf32>
    %add3A_575 = arith.addf %get3A_569, %reduce_sum3A_574 : f32
    %swap3A_576 = arith.constant 0 : index
    %swap3A_577 = memref.load %arg5[%swap3A_576] : memref<1xf32, #tpu.memory_space<smem>>
    memref.store %add3A_575, %arg5[%swap3A_576] : memref<1xf32, #tpu.memory_space<smem>>
    %eq3A_578 = arith.constant 71 : i32
    %eq3A_579 = arith.cmpi eq, %arg0, %eq3A_578 : i32
    %convert_element_type3A_580 = arith.extui %eq3A_579 : i1 to i32
    %cond3A_581 = arith.constant 0 : i32
    %cond3A_582 = arith.cmpi ne, %convert_element_type3A_580, %cond3A_581 : i32
    scf.if %cond3A_582 {
      %get3A_583 = arith.constant 0 : index
      %get3A_584 = memref.load %arg5[%get3A_583] : memref<1xf32, #tpu.memory_space<smem>>
      %mul3A_585 = arith.constant 5.2981909E-7 : f32
      %mul3A_586 = arith.mulf %get3A_584, %mul3A_585 : f32
      %swap3A_587 = arith.constant 0 : index
      %swap3A_588 = arith.constant 0 : index
      %swap3A_589 = memref.load %arg4[%swap3A_587, %swap3A_588] : memref<1x1xf32, #tpu.memory_space<smem>>
      memref.store %mul3A_586, %arg4[%swap3A_587, %swap3A_588] : memref<1x1xf32, #tpu.memory_space<smem>>
    } else {
    }
    return
  }
  func.func @transform_0(%arg0: i32) -> (i32, i32) {
    %c0_i32 = arith.constant 0 : i32
    %c0_i32_0 = arith.constant 0 : i32
    return %arg0, %c0_i32 : i32, i32
  }
  func.func @transform_1(%arg0: i32) -> (i32, i32) {
    %c0_i32 = arith.constant 0 : i32
    %c0_i32_0 = arith.constant 0 : i32
    %c0_i32_1 = arith.constant 0 : i32
    return %c0_i32, %c0_i32_0 : i32, i32
  }
  func.func @transform_2(%arg0: i32) -> (i32, i32, i32) {
    %c0_i32 = arith.constant 0 : i32
    %c0_i32_0 = arith.constant 0 : i32
    %c0_i32_1 = arith.constant 0 : i32
    return %arg0, %c0_i32, %c0_i32_0 : i32, i32, i32
  }
  func.func @transform_3(%arg0: i32) -> (i32, i32) {
    %c0_i32 = arith.constant 0 : i32
    %c0_i32_0 = arith.constant 0 : i32
    %c0_i32_1 = arith.constant 0 : i32
    return %c0_i32, %c0_i32_0 : i32, i32
  }
}

module attributes {stable_mosaic.version = 14 : i64} {
  func.func @_finalize_body(%arg0: memref<32x8192xf32, #tpu.memory_space<vmem>>, %arg1: memref<1x1xf32, #tpu.memory_space<smem>>) attributes {dimension_semantics = [], scalar_prefetch = 0 : i64, scratch_operands = 0 : i64, tpu.core_type = #tpu.core_type<tc>} {
    %get3A = arith.constant 0 : index
    %get3A_0 = arith.constant 0 : index
    %get3A_1 = vector.load %arg0[%get3A, %get3A_0] : memref<32x8192xf32, #tpu.memory_space<vmem>>, vector<32x8192xf32>
    %reduce_sum3A = arith.constant dense<0.000000e+00> : vector<8192xf32>
    %reduce_sum3A_2 = vector.multi_reduction <add>, %get3A_1, %reduce_sum3A [0] : vector<32x8192xf32> to vector<8192xf32>
    %mul3A = arith.constant 2.71267363E-5 : f32
    %mul3A_3 = vector.broadcast %mul3A : f32 to vector<8192xf32>
    %mul3A_4 = arith.mulf %reduce_sum3A_2, %mul3A_3 : vector<8192xf32>
    %add3A = arith.constant 1.000000e-10 : f32
    %add3A_5 = vector.broadcast %add3A : f32 to vector<8192xf32>
    %add3A_6 = arith.addf %mul3A_4, %add3A_5 : vector<8192xf32>
    %log3A = math.log %add3A_6 : vector<8192xf32>
    %mul3A_7 = arith.mulf %mul3A_4, %log3A : vector<8192xf32>
    %reduce_sum3A_8 = vector.shape_cast %mul3A_7 : vector<8192xf32> to vector<1x8192xf32>
    %reduce_sum3A_9 = arith.constant dense<0.000000e+00> : vector<1xf32>
    %reduce_sum3A_10 = vector.multi_reduction <add>, %reduce_sum3A_8, %reduce_sum3A_9 [1] : vector<1x8192xf32> to vector<1xf32>
    %reduce_sum3A_11 = vector.shape_cast %reduce_sum3A_10 : vector<1xf32> to vector<1x1xf32>
    %reduce_sum3A_12 = vector.extract %reduce_sum3A_11[0, 0] : f32 from vector<1x1xf32>
    %neg3A = arith.constant 0.000000e+00 : f32
    %neg3A_13 = arith.subf %neg3A, %reduce_sum3A_12 : f32
    %exp3A = math.exp %neg3A_13 : f32
    %swap3A = arith.constant 0 : index
    %swap3A_14 = arith.constant 0 : index
    %swap3A_15 = memref.load %arg1[%swap3A, %swap3A_14] : memref<1x1xf32, #tpu.memory_space<smem>>
    memref.store %exp3A, %arg1[%swap3A, %swap3A_14] : memref<1x1xf32, #tpu.memory_space<smem>>
    return
  }
}

</mosaic_0001>

<sc_bundles>
// kernel: kernel.5.cloned.1.call-start
scs
__scs_entry_jumppad:
0x0: {  	(pc) =	sbr.rel $0x88, $3  }
0x1: {  	(tag) =	ssettag $0x0;
	lr =	simm.s32 $0x1  }
0x2: {  	[smem:$0x3F9F] =	sst lr;
	_ =	strace $0xD0000000  }
0x3: {  	_ = 	snop  }
0x4: {  	_ = 	snop  }
0x5: {  	_ = 	snop  }
0x6: {  	_ = 	snop  }
0x7: {  	_ = 	snop  }
__scs_overlays_trampoline_lowered:
0x8: {  	[smem:$0x3FAE] =	sst s0  }
0x9: {  	[smem:$0x3FAF] =	sst s1  }
0xa: {  	[smem:$0x3FB0] =	sst s2  }
0xb: {  	[smem:$0x3FB1] =	sst s3  }
0xc: {  	[smem:$0x3FB2] =	sst s4  }
0xd: {  	[smem:$0x3FB3] =	sst s5  }
0xe: {  	[smem:$0x3FB4] =	sst s6  }
0xf: {  	[smem:$0x3FB5] =	sst s7  }
0x10: {  	[smem:$0x3FB6] =	sst s8  }
0x11: {  	[smem:$0x3FB7] =	sst s9;
	s0 =	simm.s32 @!p0 $0x0  }
0x12: {  	s1 =	sld [smem:$0x3F9D];
	s0 =	simm.s32 @p0 $0x1  }
0x13: {  	[smem:$0x3FB8] =	sst s0;
	s0 =	simm.s32 @!p1 $0x0  }
0x14: {  	s2 =	sld [smem:$0x3F9C];
	s0 =	simm.s32 @p1 $0x1  }
0x15: {  	[smem:$0x3FB9] =	sst s0;
	s0 =	simm.s32 @!p2 $0x0  }
0x16: {  	s3 =	sld [smem:$0x3FDB];
	s0 =	simm.s32 @p2 $0x1  }
0x17: {  	s4 =	simm.s32 $0x1BF5;
	[smem:$0x3FBB] =	sst s0  }
0x18: {  	s0 =	sld [smem:$0x3F9E];
	_ =	swait.ge [sflag:s4], $0x0  }
0x19: {  	s7 =	sld [smem:$0x3F9F]  }
0x1a: {  	s8 =	sadd.s32 $0xFFFFE003, lr  }
0x1b: {  	s9 =	sadd.s32 $0xFFFFFEF7, lr;
	s5 =	simm.s32 $0xFFFFFFFF;
	p2 =	slt.u32 s8, $0xFFFFF086  }
0x1c: {  	p1 =	slt.u32 s9, $0xF7A;
	s5 =	simm.s32 @!p2 $0x0  }
0x1d: {  	s5 =	simm.s32 @p1 $0x1;
	p0 =	seq.s32 s7, s2  }
0x1e: {  	s7 =	smul.u32 @!p0 $0xF7A, s2;
	p2 =	seq.s32 @!p0 s5, $0x0  }
0x1f: {  	s9 =	smul.u32 $0xF7A, s1;
	s8 =	simm.s32 @!p0 $0x1BF5;
	p2 =	por !p2, p0  }
0x20: {  	[sflag:s8] =	ssyncset.s32 @!p0 $0xFFFFF086;
	s6 =	sadd.s32 @!p0 s3, s7;
	s7 =	simm.s32 @!p0 $0x108  }
0x21: {  	s3 =	sadd.s32 s3, s9;
	s6 =	sadd.s32 @!p0 $0x88, s6;
	s7 =	simm.s32 @p2 $0x1082  }
0x22: {  	[simem:s7], [sflag:s8] =	dma.local @!p0 [hbm:s6], $0xF7A  }
0x23: {  	s9 =	sor.u32 $0xD0000000, s2;
	s6 =	simm.s32 $0x108;
	_ =	swait.ge @!p0 [sflag:s8], $0x0  }
0x24: {  	s3 =	sadd.s32 $0x88, s3;
	s6 =	simm.s32 @!p1 $0x1082;
	[sflag:s4] =	ssyncset.s32 $0xFFFFF086  }
0x25: {  	[simem:s6], [sflag:s4] =	dma.local [hbm:s3], $0xF7A  }
0x26: {  	[smem:$0x3F9F] =	sst s1;
	(tag) =	ssettag s2;
	_ =	strace s9  }
0x27: {  	s1 =	sld [smem:$0x3FAF]  }
0x28: {  	s2 =	sld [smem:$0x3FB0]  }
0x29: {  	s4 =	sld [smem:$0x3FB2]  }
0x2a: {  	p0 =	seq.s32 s5, $0x0;
	s5 =	sld [smem:$0x3FB3]  }
0x2b: {  	s6 =	sld [smem:$0x3FB4]  }
0x2c: {  	s7 =	sld [smem:$0x3FB5]  }
0x2d: {  	s3 =	simm.s32 $0x108;
	s8 =	sld [smem:$0x3FB6]  }
0x2e: {  	s3 =	simm.s32 @!p0 $0x1082;
	s9 =	sld [smem:$0x3FB7]  }
0x2f: {  	lr =	sadd.s32 s0, s3;
	s0 =	sld [smem:$0x3FAE]  }
0x30: {  	s3 =	sld [smem:$0x3FB1]  }
0x31: {  	[smem:$0x3FBA] =	sst s10  }
0x32: {  	s10 =	sld [smem:$0x3FB8];
	_ =	sdelay $0x3  }
0x33: {  	p0 =	seq.s32 s10, $0x1;
	s10 =	sld [smem:$0x3FBA];
	_ =	sdelay $0x3  }
0x34: {  	[smem:$0x3FBA] =	sst s10  }
0x35: {  	s10 =	sld [smem:$0x3FB9];
	_ =	sdelay $0x3  }
0x36: {  	p1 =	seq.s32 s10, $0x1;
	s10 =	sld [smem:$0x3FBA];
	_ =	sdelay $0x3  }
0x37: {  	[smem:$0x3FBA] =	sst s10  }
0x38: {  	s10 =	sld [smem:$0x3FBB]  }
0x39: {  	_ = 	snop;
	(pc) =	sbr.ind lr, $3  }
0x3a: {  	_ = 	snop  }
0x3b: {  	_ = 	snop  }
0x3c: {  	p2 =	seq.s32 s10, $0x1;
	s10 =	sld [smem:$0x3FBA]  }
0x3d: {  	_ =	shalt  }
0x3e: {  	_ =	shalt  }
0x3f: {  	_ =	shalt  }
0x40: {  	_ =	shalt  }
0x41: {  	_ =	shalt  }
0x42: {  	_ =	shalt  }
0x43: {  	_ =	shalt  }
0x44: {  	_ =	shalt  }
0x45: {  	_ =	shalt  }
0x46: {  	_ =	shalt  }
0x47: {  	_ =	shalt  }
0x48: {  	_ =	shalt  }
0x49: {  	_ =	shalt  }
0x4a: {  	_ =	shalt  }
0x4b: {  	_ =	shalt  }
0x4c: {  	_ =	shalt  }
0x4d: {  	_ =	shalt  }
0x4e: {  	_ =	shalt  }
0x4f: {  	_ =	shalt  }
0x50: {  	_ =	shalt  }
0x51: {  	_ =	shalt  }
0x52: {  	_ =	shalt  }
0x53: {  	_ =	shalt  }
0x54: {  	_ =	shalt  }
0x55: {  	_ =	shalt  }
0x56: {  	_ =	shalt  }
0x57: {  	_ =	shalt  }
0x58: {  	_ =	shalt  }
0x59: {  	_ =	shalt  }
0x5a: {  	_ =	shalt  }
0x5b: {  	_ =	shalt  }
0x5c: {  	_ =	shalt  }
0x5d: {  	_ =	shalt  }
0x5e: {  	_ =	shalt  }
0x5f: {  	_ =	shalt  }
0x60: {  	_ =	shalt  }
0x61: {  	_ =	shalt  }
0x62: {  	_ =	shalt  }
0x63: {  	_ =	shalt  }
0x64: {  	_ =	shalt  }
0x65: {  	_ =	shalt  }
0x66: {  	_ =	shalt  }
0x67: {  	_ =	shalt  }
0x68: {  	_ =	shalt  }
0x69: {  	_ =	shalt  }
0x6a: {  	_ =	shalt  }
0x6b: {  	_ =	shalt  }
0x6c: {  	_ =	shalt  }
0x6d: {  	_ =	shalt  }
0x6e: {  	_ =	shalt  }
0x6f: {  	_ =	shalt  }
0x70: {  	_ =	shalt  }
0x71: {  	_ =	shalt  }
0x72: {  	_ =	shalt  }
0x73: {  	_ =	shalt  }
0x74: {  	_ =	shalt  }
0x75: {  	_ =	shalt  }
0x76: {  	_ =	shalt  }
0x77: {  	_ =	shalt  }
0x78: {  	_ =	shalt  }
0x79: {  	_ =	shalt  }
0x7a: {  	_ =	shalt  }
0x7b: {  	_ =	shalt  }
0x7c: {  	_ =	shalt  }
0x7d: {  	_ =	shalt  }
0x7e: {  	_ =	shalt  }
0x7f: {  	_ =	shalt  }
0x80: {  	_ =	shalt  }
0x81: {  	_ =	shalt  }
0x82: {  	_ =	shalt  }
0x83: {  	_ =	shalt  }
0x84: {  	_ =	shalt  }
0x85: {  	_ =	shalt  }
0x86: {  	_ =	shalt  }
0x87: {  	_ =	shalt  }
.Lfunc_end0:
.L_simem_size_0:
called_computation_lowered:
.L_overlay_start_0:
0x88: {  	s2 =	sld [smem:$0x3FD9]  }
0x89: {  	s3 =	sld [smem:$0x3FFE];
	_ =	sdelay $0x1  }
0x8a: {  	s1 =	srdreg.scid  }
0x8b: {  	s0 =	sand.u32 $0x1, s1  }
0x8c: {  	s14 =	sshll.u32 s0, $0xA;
	s2 =	sadd.s32 s3, s2  }
0x8d: {  	s2 =	sadd.s32 s2, s14  }
0x8e: {  	[smem:$0x3FC6] =	sst s2  }
0x8f: {  	_ = 	snop  }
0x90: {  	s2 =	sld [smem:$0x3FD0];
	_ =	sdelay $0x2  }
0x91: {  	s15 =	simm.s32 $0xA;
	s4 =	simm.s32 $0x10  }
0x92: {  	[smem:s4], [sflag:s15] =	dma.local [hbm:s2], $0x1  }
0x93: {  	_ =	swait.eq [sflag:s15], $0x1  }
0x94: {  	[sflag:s15] =	ssyncset.done $0x0  }
0x95: {  	[sflag:s15] =	ssyncadd.s32 $0xFFFFFFFF  }
0x96: {  	s16 =	sld [smem:$0x11];
	(tm) =	ssettm $0x1  }
0x97: {  	s17 =	sld [smem:$0x3FFB];
	_ =	sdelay $0x3  }
0x98: {  	_ =	strace s17  }
0x99: {  	s3 =	sld [smem:$0x3FFC];
	_ =	sdelay $0x3  }
0x9a: {  	_ =	strace s3  }
0x9b: {  	s3 =	sld [smem:$0x3FFD];
	_ =	sdelay $0x3  }
0x9c: {  	_ =	strace s3  }
0x9d: {  	_ =	strace $0x8FFFFFFF  }
0x9e: {  	s18 =	sld [smem:$0x3FDB];
	_ =	sdelay $0x1  }
0x9f: {  	s19 =	simm.s32 $_scs_section_size  }
0xa0: {  	s5 =	simm.s32 $_size__tile_overlayer_lowered;
	s6 =	simm.s32 $_tile_overlayer_lowered  }
0xa1: {  	s22 =	simm.s32 $0x1BFF;
	s21 =	sshll.u32 s6, $0x1;
	s3 =	sadd.s32 s19, s18  }
0xa2: {  	s7 =	simm.s32 $0x0;
	s20 =	sshll.u32 s5, $0x1;
	s5 =	sadd.s32 s21, s3  }
0xa3: {  	[timem:s7], [sflag:s22] =	dma.local [hbm:s5], s20  }
0xa4: {  	_ =	swait.ge [sflag:s22], s20  }
0xa5: {  	s4 =	ssub.s32 $0x0, s20;
	[sflag:s22] =	ssyncset.done $0x0  }
0xa6: {  	[sflag:s22] =	ssyncadd.s32 s4;
	_ =	sdelay $0x1  }
0xa7: {  	s23 =	simm.s32 $0x1B8B  }
0xa8: {  	_ =	swait.ge [sflag:s23], $0x1  }
0xa9: {  	[sflag:s23] =	ssyncset.done $0x0  }
0xaa: {  	s25 =	simm.s32 $0x1B8E;
	s24 =	sld [smem:$0x3FFE];
	[sflag:s23] =	ssyncadd.s32 $0xFFFFFFFF  }
0xab: {  	s26 =	simm.s32 $execute0_lowered;
	[smem:$0x3FD2] =	sst s25  }
0xac: {  	s5 =	sshll.u32 s26, $0x1;
	_ =	strace $0x80000046;
	[dreg:$0x1] =	wrdreg $0xFFFFFFFF  }
0xad: {  	s28 =	simm.s32 $_size_execute0_lowered;
	s3 =	sadd.s32 s3, s5;
	[dreg:$0x0] =	wrdreg $0x0  }
0xae: {  	s5 =	sshll.u32 s28, $0x1;
	[dreg:$0x2] =	wrdreg s3  }
0xaf: {  	[dreg:$0x3] =	wrdreg s5  }
0xb0: {  	[dreg:$0x4] =	wrdreg $0xC0  }
0xb1: {  	_ =	task [dreg:s7], $0x5FFFF  }
0xb2: {  	[dreg:$0x1] =	wrdreg $0xFFFFFFFF  }
0xb3: {  	[dreg:$0x0] =	wrdreg $0x60  }
0xb4: {  	[dreg:$0x2] =	wrdreg s24  }
0xb5: {  	[dreg:$0x3] =	wrdreg s16  }
0xb6: {  	[dreg:$0x4] =	wrdreg $0x9  }
0xb7: {  	_ =	task.clear_ibuf [dreg:s7], $0x5FFFF;
	_ =	strace $0x90000046  }
0xb8: {  	s29 =	simm.s32 $0x9;
	_ =	strace $0x80000048  }
0xb9: {  	_ =	swait.ge [sflag:s29], $0x1  }
0xba: {  	[sflag:s29] =	ssyncadd.s32 $0xFFFFFFFF  }
0xbb: {  	_ =	strace $0x90000048  }
0xbc: {  	_ =	sfence  }
0xbd: {  	s30 =	sld [smem:$0x0];
	_ =	sdelay $0x2  }
0xbe: {  	s31 =	sshll.u32 s1, $0xD;
	s1 =	sshrl.u32 s1, $0x2  }
0xbf: {  	s3 =	sand.u32 $0x4000, s31;
	s1 =	sadd.s32 s1, s30  }
0xc0: {  	s0 =	sor.u32 s3, s0;
	s1 =	sshll.u32 s1, $0x11  }
0xc1: {  	s0 =	sor.u32 s1, s0  }
0xc2: {  	s0 =	sadd.s32 $0x8F2B, s0  }
0xc3: {  	[sflag:s0] =	ssyncadd.remote.s32 $0x1  }
0xc4: {  	_ =	sfence.sel $0xFFFF  }
0xc5: {  	[dreg:$0x0] =	wrdreg $0xFFFFFFFF;
	(pc) =	sbr.abs _section_cstart, $3  }
0xc6: {  	[dreg:$0x1] =	wrdreg $0xFFFFFFFF  }
0xc7: {  	_ =	task.clear_ibuf [dreg:s7], $0x2FFFF;
	_ =	strace $0x9FFFFFFF  }
0xc8: {  	(tm) =	ssettm $0x7FFFFFFF  }
0xc9: {  	_ =	shalt  }
tec
execute0_lowered:
.L_overlay_start_1:
0x0: {  	(tag) =	ssettag $0x1  }
0x1: {  	s4 =	rddreg [dreg:$0x0]  }
0x2: {  	s1 =	srdreg.scid;
	s0 =	stileid.u32  }
0x3: {  	s5 =	rddreg [dreg:$0x1];
	s2 =	simm.s32 $0x0;
	s16 =	simm.s32 $0x2  }
0x4: {  	s17 =	simm.s32 $0x80;
	s18 =	simm.s32 $0x480;
	s19 =	simm.s32 $0x1  }
0x5: {  	s20 =	simm.s32 $0x2480;
	s21 =	simm.s32 $0x100;
	s22 =	simm.s32 $0x180  }
0x6: {  	s23 =	simm.s32 $0x200;
	s24 =	simm.s32 $0x280;
	s25 =	simm.s32 $0x300  }
0x7: {  	s26 =	simm.s32 $0x380;
	s6 =	sand.u32 $0x1, s1;
	s3 =	sshll.u32 s0, $0x1  }
0x8: {  	s28 =	simm.s32 $0x400;
	s1 =	rddreg [dreg:$0x2];
	s7 =	sor.u32 s6, s3  }
0x9: {  	s29 =	simm.s32 $0x0;
	[smem:$0x7FF] =	sst s2;
	s3 =	smul.u32 $0x90, s7  }
0xa: {  	_ =	strace $0x80000047;
	s30 =	ssub.s32 $0x2, s6;
	s10 =	smul.u32 $0x12000, s7  }
0xb: {  	s9 =	sshll.u32 s7, $0xA;
	s6 =	sshrl.u32 s30, $0x1;
	s7 =	smul.u32 $0x2400, s7  }
0xc: {  	s14 =	sadd.s32 s9, s4;
	s15 =	ssub.s32 s30, s6;
	s8 =	sadd.s32 s3, s4  }
0xd: {  	s3 =	sadd.s32 $0xA00, s4;
	s31 =	sshrl.u32 s10, $0x3;
	s14 =	sadd.s32 $0x11C00, s14  }
0xe: {  	s15 =	smax.u32 s15, $0x1;
	s4 =	sadd.s32 $0x10A00, s8;
	s13 =	sadd.s32 s5, s31  }
0xf: {  	s5 =	sadd.s32 s5, s7;
	s6 =	sadd.s32 $0x400, s13;
	s7 =	sadd.s32 $0x800, s13  }
0x10: {  	s8 =	sadd.s32 $0xC00, s13;
	s9 =	sadd.s32 $0x1000, s13;
	s10 =	sadd.s32 $0x1400, s13  }
0x11: {  	v0 =	vimm.f32 $0.0e+00;
	v1 =	vimm.f32 $1.000000000e+00;
	s11 =	sadd.s32 $0x1800, s13;
	s12 =	sadd.s32 $0x1C00, s13;
	s13 =	sadd.s32 $0x2000, s13  }
.LBB2_1:
0x12: {  	[tilespmem:s2], [sflag:$0x2] =	stream.linear.gather [hbm4b:s4+s2], $0x480, $0x38;
	[tilespmem:$0x4480] =	vst v63  }
0x13: {  	_ =	swait.ge [sflag:s16], $0x480  }
0x14: {  	[sflag:s16] =	ssyncset.done $0x0  }
0x15: {  	s30 =	simm.s32 $0x40;
	s31 =	simm.s32 $0x0;
	[sflag:s16] =	ssyncadd.s32 $0xFFFFFB80  }
.LBB2_2:
0x16: {  	p0 =	sne.s32 s30, $0x7FC0;
	[tilespmem:s31+$0x2480] =	vst v0;
	s31 =	smov.u32 s30;
	s30 =	sadd.s32 $0x40, s30  }
.Ltmp0:
0x17: {  	(pc) =	sbr.rel @p0 .LBB2_2-.Ltmp0, $2  }
0x18: {  	_ =	sdelay $0x2  }
0x19: {  	s31 =	sshra.s32 s31, $0x2  }
0x1a: {  	[tilespmem:s31+$0x2480] =	vst v0  }
0x1b: {  	[tilespmem:s18], [sflag:$0x1] =	stream.indirect.gather [hbm4b:s3+s17], $0x40, s2, s17, $0xb8;
	[tilespmem:$0x4480] =	vst v63  }
0x1c: {  	_ =	swait.ge [sflag:s19], $0x2000  }
0x1d: {  	[sflag:s19] =	ssyncset.done $0x0  }
0x1e: {  	[sflag:s19] =	ssyncadd.s32 $0xFFFFE000  }
0x1f: {  	[hbm4b:s5+s2] =	stream.linear.scatter [tilespmem:s18], [sflag:$0x2], $0x2000, $0x38;
	[tilespmem:$0x4480] =	vst v63  }
0x20: {  	_ =	swait.ge [sflag:s16], $0x2000  }
0x21: {  	[sflag:s16] =	ssyncset.done $0x0  }
0x22: {  	[sflag:s16] =	ssyncadd.s32 $0xFFFFE000  }
0x23: {  	v2 =	vld [tilespmem:$0x0];
	_ =	sdelay $0x7  }
0x24: {  	[tilespmem:v2+s20+$0x0] =	vst.idx.add.f32.msk $0xffff, v1  }
0x25: {  	v2 =	vld [tilespmem:$0x10];
	_ =	sdelay $0x7  }
0x26: {  	[tilespmem:v2+s20+$0x0] =	vst.idx.add.f32.msk $0xffff, v1  }
0x27: {  	v2 =	vld [tilespmem:$0x20];
	_ =	sdelay $0x7  }
0x28: {  	[tilespmem:v2+s20+$0x0] =	vst.idx.add.f32.msk $0xffff, v1  }
0x29: {  	v2 =	vld [tilespmem:$0x30];
	_ =	sdelay $0x7  }
0x2a: {  	[tilespmem:v2+s20+$0x0] =	vst.idx.add.f32.msk $0xffff, v1  }
0x2b: {  	v2 =	vld [tilespmem:$0x40];
	_ =	sdelay $0x7  }
0x2c: {  	[tilespmem:v2+s20+$0x0] =	vst.idx.add.f32.msk $0xffff, v1  }
0x2d: {  	v2 =	vld [tilespmem:$0x50];
	_ =	sdelay $0x7  }
0x2e: {  	[tilespmem:v2+s20+$0x0] =	vst.idx.add.f32.msk $0xffff, v1  }
0x2f: {  	v2 =	vld [tilespmem:$0x60];
	_ =	sdelay $0x7  }
0x30: {  	[tilespmem:v2+s20+$0x0] =	vst.idx.add.f32.msk $0xffff, v1  }
0x31: {  	v2 =	vld [tilespmem:$0x70];
	_ =	sdelay $0x7  }
0x32: {  	[tilespmem:v2+s20+$0x0] =	vst.idx.add.f32.msk $0xffff, v1  }
0x33: {  	[tilespmem:s18], [sflag:$0x1] =	stream.indirect.gather [hbm4b:s3+s17], $0x40, s17, s17, $0xb8;
	[tilespmem:$0x4480] =	vst v63  }
0x34: {  	_ =	swait.ge [sflag:s19], $0x2000  }
0x35: {  	[sflag:s19] =	ssyncset.done $0x0  }
0x36: {  	[sflag:s19] =	ssyncadd.s32 $0xFFFFE000  }
0x37: {  	[hbm4b:s6+s2] =	stream.linear.scatter [tilespmem:s18], [sflag:$0x2], $0x2000, $0x38;
	[tilespmem:$0x4480] =	vst v63  }
0x38: {  	_ =	swait.ge [sflag:s16], $0x2000  }
0x39: {  	[sflag:s16] =	ssyncset.done $0x0  }
0x3a: {  	[sflag:s16] =	ssyncadd.s32 $0xFFFFE000  }
0x3b: {  	v2 =	vld [tilespmem:$0x80];
	_ =	sdelay $0x7  }
0x3c: {  	[tilespmem:v2+s20+$0x0] =	vst.idx.add.f32.msk $0xffff, v1  }
0x3d: {  	v2 =	vld [tilespmem:$0x90];
	_ =	sdelay $0x7  }
0x3e: {  	[tilespmem:v2+s20+$0x0] =	vst.idx.add.f32.msk $0xffff, v1  }
0x3f: {  	v2 =	vld [tilespmem:$0xA0];
	_ =	sdelay $0x7  }
0x40: {  	[tilespmem:v2+s20+$0x0] =	vst.idx.add.f32.msk $0xffff, v1  }
0x41: {  	v2 =	vld [tilespmem:$0xB0];
	_ =	sdelay $0x7  }
0x42: {  	[tilespmem:v2+s20+$0x0] =	vst.idx.add.f32.msk $0xffff, v1  }
0x43: {  	v2 =	vld [tilespmem:$0xC0];
	_ =	sdelay $0x7  }
0x44: {  	[tilespmem:v2+s20+$0x0] =	vst.idx.add.f32.msk $0xffff, v1  }
0x45: {  	v2 =	vld [tilespmem:$0xD0];
	_ =	sdelay $0x7  }
0x46: {  	[tilespmem:v2+s20+$0x0] =	vst.idx.add.f32.msk $0xffff, v1  }
0x47: {  	v2 =	vld [tilespmem:$0xE0];
	_ =	sdelay $0x7  }
0x48: {  	[tilespmem:v2+s20+$0x0] =	vst.idx.add.f32.msk $0xffff, v1  }
0x49: {  	v2 =	vld [tilespmem:$0xF0];
	_ =	sdelay $0x7  }
0x4a: {  	[tilespmem:v2+s20+$0x0] =	vst.idx.add.f32.msk $0xffff, v1  }
0x4b: {  	[tilespmem:s18], [sflag:$0x1] =	stream.indirect.gather [hbm4b:s3+s17], $0x40, s21, s17, $0xb8;
	[tilespmem:$0x4480] =	vst v63  }
0x4c: {  	_ =	swait.ge [sflag:s19], $0x2000  }
0x4d: {  	[sflag:s19] =	ssyncset.done $0x0  }
0x4e: {  	[sflag:s19] =	ssyncadd.s32 $0xFFFFE000  }
0x4f: {  	[hbm4b:s7+s2] =	stream.linear.scatter [tilespmem:s18], [sflag:$0x2], $0x2000, $0x38;
	[tilespmem:$0x4480] =	vst v63  }
0x50: {  	_ =	swait.ge [sflag:s16], $0x2000  }
0x51: {  	[sflag:s16] =	ssyncset.done $0x0  }
0x52: {  	[sflag:s16] =	ssyncadd.s32 $0xFFFFE000  }
0x53: {  	v2 =	vld [tilespmem:$0x100];
	_ =	sdelay $0x7  }
0x54: {  	[tilespmem:v2+s20+$0x0] =	vst.idx.add.f32.msk $0xffff, v1  }
0x55: {  	v2 =	vld [tilespmem:$0x110];
	_ =	sdelay $0x7  }
0x56: {  	[tilespmem:v2+s20+$0x0] =	vst.idx.add.f32.msk $0xffff, v1  }
0x57: {  	v2 =	vld [tilespmem:$0x120];
	_ =	sdelay $0x7  }
0x58: {  	[tilespmem:v2+s20+$0x0] =	vst.idx.add.f32.msk $0xffff, v1  }
0x59: {  	v2 =	vld [tilespmem:$0x130];
	_ =	sdelay $0x7  }
0x5a: {  	[tilespmem:v2+s20+$0x0] =	vst.idx.add.f32.msk $0xffff, v1  }
0x5b: {  	v2 =	vld [tilespmem:$0x140];
	_ =	sdelay $0x7  }
0x5c: {  	[tilespmem:v2+s20+$0x0] =	vst.idx.add.f32.msk $0xffff, v1  }
0x5d: {  	v2 =	vld [tilespmem:$0x150];
	_ =	sdelay $0x7  }
0x5e: {  	[tilespmem:v2+s20+$0x0] =	vst.idx.add.f32.msk $0xffff, v1  }
0x5f: {  	v2 =	vld [tilespmem:$0x160];
	_ =	sdelay $0x7  }
0x60: {  	[tilespmem:v2+s20+$0x0] =	vst.idx.add.f32.msk $0xffff, v1  }
0x61: {  	v2 =	vld [tilespmem:$0x170];
	_ =	sdelay $0x7  }
0x62: {  	[tilespmem:v2+s20+$0x0] =	vst.idx.add.f32.msk $0xffff, v1  }
0x63: {  	[tilespmem:s18], [sflag:$0x1] =	stream.indirect.gather [hbm4b:s3+s17], $0x40, s22, s17, $0xb8;
	[tilespmem:$0x4480] =	vst v63  }
0x64: {  	_ =	swait.ge [sflag:s19], $0x2000  }
0x65: {  	[sflag:s19] =	ssyncset.done $0x0  }
0x66: {  	[sflag:s19] =	ssyncadd.s32 $0xFFFFE000  }
0x67: {  	[hbm4b:s8+s2] =	stream.linear.scatter [tilespmem:s18], [sflag:$0x2], $0x2000, $0x38;
	[tilespmem:$0x4480] =	vst v63  }
0x68: {  	_ =	swait.ge [sflag:s16], $0x2000  }
0x69: {  	[sflag:s16] =	ssyncset.done $0x0  }
0x6a: {  	[sflag:s16] =	ssyncadd.s32 $0xFFFFE000  }
0x6b: {  	v2 =	vld [tilespmem:$0x180];
	_ =	sdelay $0x7  }
0x6c: {  	[tilespmem:v2+s20+$0x0] =	vst.idx.add.f32.msk $0xffff, v1  }
0x6d: {  	v2 =	vld [tilespmem:$0x190];
	_ =	sdelay $0x7  }
0x6e: {  	[tilespmem:v2+s20+$0x0] =	vst.idx.add.f32.msk $0xffff, v1  }
0x6f: {  	v2 =	vld [tilespmem:$0x1A0];
	_ =	sdelay $0x7  }
0x70: {  	[tilespmem:v2+s20+$0x0] =	vst.idx.add.f32.msk $0xffff, v1  }
0x71: {  	v2 =	vld [tilespmem:$0x1B0];
	_ =	sdelay $0x7  }
0x72: {  	[tilespmem:v2+s20+$0x0] =	vst.idx.add.f32.msk $0xffff, v1  }
0x73: {  	v2 =	vld [tilespmem:$0x1C0];
	_ =	sdelay $0x7  }
0x74: {  	[tilespmem:v2+s20+$0x0] =	vst.idx.add.f32.msk $0xffff, v1  }
0x75: {  	v2 =	vld [tilespmem:$0x1D0];
	_ =	sdelay $0x7  }
0x76: {  	[tilespmem:v2+s20+$0x0] =	vst.idx.add.f32.msk $0xffff, v1  }
0x77: {  	v2 =	vld [tilespmem:$0x1E0];
	_ =	sdelay $0x7  }
0x78: {  	[tilespmem:v2+s20+$0x0] =	vst.idx.add.f32.msk $0xffff, v1  }
0x79: {  	v2 =	vld [tilespmem:$0x1F0];
	_ =	sdelay $0x7  }
0x7a: {  	[tilespmem:v2+s20+$0x0] =	vst.idx.add.f32.msk $0xffff, v1  }
0x7b: {  	[tilespmem:s18], [sflag:$0x1] =	stream.indirect.gather [hbm4b:s3+s17], $0x40, s23, s17, $0xb8;
	[tilespmem:$0x4480] =	vst v63  }
0x7c: {  	_ =	swait.ge [sflag:s19], $0x2000  }
0x7d: {  	[sflag:s19] =	ssyncset.done $0x0  }
0x7e: {  	[sflag:s19] =	ssyncadd.s32 $0xFFFFE000  }
0x7f: {  	[hbm4b:s9+s2] =	stream.linear.scatter [tilespmem:s18], [sflag:$0x2], $0x2000, $0x38;
	[tilespmem:$0x4480] =	vst v63  }
0x80: {  	_ =	swait.ge [sflag:s16], $0x2000  }
0x81: {  	[sflag:s16] =	ssyncset.done $0x0  }
0x82: {  	[sflag:s16] =	ssyncadd.s32 $0xFFFFE000  }
0x83: {  	v2 =	vld [tilespmem:$0x200];
	_ =	sdelay $0x7  }
0x84: {  	[tilespmem:v2+s20+$0x0] =	vst.idx.add.f32.msk $0xffff, v1  }
0x85: {  	v2 =	vld [tilespmem:$0x210];
	_ =	sdelay $0x7  }
0x86: {  	[tilespmem:v2+s20+$0x0] =	vst.idx.add.f32.msk $0xffff, v1  }
0x87: {  	v2 =	vld [tilespmem:$0x220];
	_ =	sdelay $0x7  }
0x88: {  	[tilespmem:v2+s20+$0x0] =	vst.idx.add.f32.msk $0xffff, v1  }
0x89: {  	v2 =	vld [tilespmem:$0x230];
	_ =	sdelay $0x7  }
0x8a: {  	[tilespmem:v2+s20+$0x0] =	vst.idx.add.f32.msk $0xffff, v1  }
0x8b: {  	v2 =	vld [tilespmem:$0x240];
	_ =	sdelay $0x7  }
0x8c: {  	[tilespmem:v2+s20+$0x0] =	vst.idx.add.f32.msk $0xffff, v1  }
0x8d: {  	v2 =	vld [tilespmem:$0x250];
	_ =	sdelay $0x7  }
0x8e: {  	[tilespmem:v2+s20+$0x0] =	vst.idx.add.f32.msk $0xffff, v1  }
0x8f: {  	v2 =	vld [tilespmem:$0x260];
	_ =	sdelay $0x7  }
0x90: {  	[tilespmem:v2+s20+$0x0] =	vst.idx.add.f32.msk $0xffff, v1  }
0x91: {  	v2 =	vld [tilespmem:$0x270];
	_ =	sdelay $0x7  }
0x92: {  	[tilespmem:v2+s20+$0x0] =	vst.idx.add.f32.msk $0xffff, v1  }
0x93: {  	[tilespmem:s18], [sflag:$0x1] =	stream.indirect.gather [hbm4b:s3+s17], $0x40, s24, s17, $0xb8;
	[tilespmem:$0x4480] =	vst v63  }
0x94: {  	_ =	swait.ge [sflag:s19], $0x2000  }
0x95: {  	[sflag:s19] =	ssyncset.done $0x0  }
0x96: {  	[sflag:s19] =	ssyncadd.s32 $0xFFFFE000  }
0x97: {  	[hbm4b:s10+s2] =	stream.linear.scatter [tilespmem:s18], [sflag:$0x2], $0x2000, $0x38;
	[tilespmem:$0x4480] =	vst v63  }
0x98: {  	_ =	swait.ge [sflag:s16], $0x2000  }
0x99: {  	[sflag:s16] =	ssyncset.done $0x0  }
0x9a: {  	[sflag:s16] =	ssyncadd.s32 $0xFFFFE000  }
0x9b: {  	v2 =	vld [tilespmem:$0x280];
	_ =	sdelay $0x7  }
0x9c: {  	[tilespmem:v2+s20+$0x0] =	vst.idx.add.f32.msk $0xffff, v1  }
0x9d: {  	v2 =	vld [tilespmem:$0x290];
	_ =	sdelay $0x7  }
0x9e: {  	[tilespmem:v2+s20+$0x0] =	vst.idx.add.f32.msk $0xffff, v1  }
0x9f: {  	v2 =	vld [tilespmem:$0x2A0];
	_ =	sdelay $0x7  }
0xa0: {  	[tilespmem:v2+s20+$0x0] =	vst.idx.add.f32.msk $0xffff, v1  }
0xa1: {  	v2 =	vld [tilespmem:$0x2B0];
	_ =	sdelay $0x7  }
0xa2: {  	[tilespmem:v2+s20+$0x0] =	vst.idx.add.f32.msk $0xffff, v1  }
0xa3: {  	v2 =	vld [tilespmem:$0x2C0];
	_ =	sdelay $0x7  }
0xa4: {  	[tilespmem:v2+s20+$0x0] =	vst.idx.add.f32.msk $0xffff, v1  }
0xa5: {  	v2 =	vld [tilespmem:$0x2D0];
	_ =	sdelay $0x7  }
0xa6: {  	[tilespmem:v2+s20+$0x0] =	vst.idx.add.f32.msk $0xffff, v1  }
0xa7: {  	v2 =	vld [tilespmem:$0x2E0];
	_ =	sdelay $0x7  }
0xa8: {  	[tilespmem:v2+s20+$0x0] =	vst.idx.add.f32.msk $0xffff, v1  }
0xa9: {  	v2 =	vld [tilespmem:$0x2F0];
	_ =	sdelay $0x7  }
0xaa: {  	[tilespmem:v2+s20+$0x0] =	vst.idx.add.f32.msk $0xffff, v1  }
0xab: {  	[tilespmem:s18], [sflag:$0x1] =	stream.indirect.gather [hbm4b:s3+s17], $0x40, s25, s17, $0xb8;
	[tilespmem:$0x4480] =	vst v63  }
0xac: {  	_ =	swait.ge [sflag:s19], $0x2000  }
0xad: {  	[sflag:s19] =	ssyncset.done $0x0  }
0xae: {  	[sflag:s19] =	ssyncadd.s32 $0xFFFFE000  }
0xaf: {  	[hbm4b:s11+s2] =	stream.linear.scatter [tilespmem:s18], [sflag:$0x2], $0x2000, $0x38;
	[tilespmem:$0x4480] =	vst v63  }
0xb0: {  	_ =	swait.ge [sflag:s16], $0x2000  }
0xb1: {  	[sflag:s16] =	ssyncset.done $0x0  }
0xb2: {  	[sflag:s16] =	ssyncadd.s32 $0xFFFFE000  }
0xb3: {  	v2 =	vld [tilespmem:$0x300];
	_ =	sdelay $0x7  }
0xb4: {  	[tilespmem:v2+s20+$0x0] =	vst.idx.add.f32.msk $0xffff, v1  }
0xb5: {  	v2 =	vld [tilespmem:$0x310];
	_ =	sdelay $0x7  }
0xb6: {  	[tilespmem:v2+s20+$0x0] =	vst.idx.add.f32.msk $0xffff, v1  }
0xb7: {  	v2 =	vld [tilespmem:$0x320];
	_ =	sdelay $0x7  }
0xb8: {  	[tilespmem:v2+s20+$0x0] =	vst.idx.add.f32.msk $0xffff, v1  }
0xb9: {  	v2 =	vld [tilespmem:$0x330];
	_ =	sdelay $0x7  }
0xba: {  	[tilespmem:v2+s20+$0x0] =	vst.idx.add.f32.msk $0xffff, v1  }
0xbb: {  	v2 =	vld [tilespmem:$0x340];
	_ =	sdelay $0x7  }
0xbc: {  	[tilespmem:v2+s20+$0x0] =	vst.idx.add.f32.msk $0xffff, v1  }
0xbd: {  	v2 =	vld [tilespmem:$0x350];
	_ =	sdelay $0x7  }
0xbe: {  	[tilespmem:v2+s20+$0x0] =	vst.idx.add.f32.msk $0xffff, v1  }
0xbf: {  	v2 =	vld [tilespmem:$0x360];
	_ =	sdelay $0x7  }
0xc0: {  	[tilespmem:v2+s20+$0x0] =	vst.idx.add.f32.msk $0xffff, v1  }
0xc1: {  	v2 =	vld [tilespmem:$0x370];
	_ =	sdelay $0x7  }
0xc2: {  	[tilespmem:v2+s20+$0x0] =	vst.idx.add.f32.msk $0xffff, v1  }
0xc3: {  	[tilespmem:s18], [sflag:$0x1] =	stream.indirect.gather [hbm4b:s3+s17], $0x40, s26, s17, $0xb8;
	[tilespmem:$0x4480] =	vst v63  }
0xc4: {  	_ =	swait.ge [sflag:s19], $0x2000  }
0xc5: {  	[sflag:s19] =	ssyncset.done $0x0  }
0xc6: {  	[sflag:s19] =	ssyncadd.s32 $0xFFFFE000  }
0xc7: {  	[hbm4b:s12+s2] =	stream.linear.scatter [tilespmem:s18], [sflag:$0x2], $0x2000, $0x38;
	[tilespmem:$0x4480] =	vst v63  }
0xc8: {  	_ =	swait.ge [sflag:s16], $0x2000  }
0xc9: {  	[sflag:s16] =	ssyncset.done $0x0  }
0xca: {  	[sflag:s16] =	ssyncadd.s32 $0xFFFFE000  }
0xcb: {  	v2 =	vld [tilespmem:$0x380];
	_ =	sdelay $0x7  }
0xcc: {  	[tilespmem:v2+s20+$0x0] =	vst.idx.add.f32.msk $0xffff, v1  }
0xcd: {  	v2 =	vld [tilespmem:$0x390];
	_ =	sdelay $0x7  }
0xce: {  	[tilespmem:v2+s20+$0x0] =	vst.idx.add.f32.msk $0xffff, v1  }
0xcf: {  	v2 =	vld [tilespmem:$0x3A0];
	_ =	sdelay $0x7  }
0xd0: {  	[tilespmem:v2+s20+$0x0] =	vst.idx.add.f32.msk $0xffff, v1  }
0xd1: {  	v2 =	vld [tilespmem:$0x3B0];
	_ =	sdelay $0x7  }
0xd2: {  	[tilespmem:v2+s20+$0x0] =	vst.idx.add.f32.msk $0xffff, v1  }
0xd3: {  	v2 =	vld [tilespmem:$0x3C0];
	_ =	sdelay $0x7  }
0xd4: {  	[tilespmem:v2+s20+$0x0] =	vst.idx.add.f32.msk $0xffff, v1  }
0xd5: {  	v2 =	vld [tilespmem:$0x3D0];
	_ =	sdelay $0x7  }
0xd6: {  	[tilespmem:v2+s20+$0x0] =	vst.idx.add.f32.msk $0xffff, v1  }
0xd7: {  	v2 =	vld [tilespmem:$0x3E0];
	_ =	sdelay $0x7  }
0xd8: {  	[tilespmem:v2+s20+$0x0] =	vst.idx.add.f32.msk $0xffff, v1  }
0xd9: {  	v2 =	vld [tilespmem:$0x3F0];
	_ =	sdelay $0x7  }
0xda: {  	[tilespmem:v2+s20+$0x0] =	vst.idx.add.f32.msk $0xffff, v1  }
0xdb: {  	[tilespmem:s18], [sflag:$0x1] =	stream.indirect.gather [hbm4b:s3+s17], $0x40, s28, s17, $0xb8;
	[tilespmem:$0x4480] =	vst v63  }
0xdc: {  	_ =	swait.ge [sflag:s19], $0x2000  }
0xdd: {  	[sflag:s19] =	ssyncset.done $0x0  }
0xde: {  	[sflag:s19] =	ssyncadd.s32 $0xFFFFE000  }
0xdf: {  	[hbm4b:s13+s2] =	stream.linear.scatter [tilespmem:s18], [sflag:$0x2], $0x2000, $0x38;
	[tilespmem:$0x4480] =	vst v63  }
0xe0: {  	_ =	swait.ge [sflag:s16], $0x2000  }
0xe1: {  	[sflag:s16] =	ssyncset.done $0x0  }
0xe2: {  	[sflag:s16] =	ssyncadd.s32 $0xFFFFE000  }
0xe3: {  	v2 =	vld [tilespmem:$0x400];
	_ =	sdelay $0x7  }
0xe4: {  	[tilespmem:v2+s20+$0x0] =	vst.idx.add.f32.msk $0xffff, v1  }
0xe5: {  	v2 =	vld [tilespmem:$0x410];
	_ =	sdelay $0x7  }
0xe6: {  	[tilespmem:v2+s20+$0x0] =	vst.idx.add.f32.msk $0xffff, v1  }
0xe7: {  	v2 =	vld [tilespmem:$0x420];
	_ =	sdelay $0x7  }
0xe8: {  	[tilespmem:v2+s20+$0x0] =	vst.idx.add.f32.msk $0xffff, v1  }
0xe9: {  	v2 =	vld [tilespmem:$0x430];
	_ =	sdelay $0x7  }
0xea: {  	[tilespmem:v2+s20+$0x0] =	vst.idx.add.f32.msk $0xffff, v1  }
0xeb: {  	v2 =	vld [tilespmem:$0x440];
	_ =	sdelay $0x7  }
0xec: {  	[tilespmem:v2+s20+$0x0] =	vst.idx.add.f32.msk $0xffff, v1  }
0xed: {  	v2 =	vld [tilespmem:$0x450];
	_ =	sdelay $0x7  }
0xee: {  	[tilespmem:v2+s20+$0x0] =	vst.idx.add.f32.msk $0xffff, v1  }
0xef: {  	v2 =	vld [tilespmem:$0x460];
	_ =	sdelay $0x7  }
0xf0: {  	[tilespmem:v2+s20+$0x0] =	vst.idx.add.f32.msk $0xffff, v1  }
0xf1: {  	v2 =	vld [tilespmem:$0x470];
	_ =	sdelay $0x5  }
0xf2: {  	s29 =	sadd.s32 $0x1, s29  }
0xf3: {  	p0 =	sne.s32 s29, s15  }
.Ltmp1:
0xf4: {  	[tilespmem:v2+s20+$0x0] =	vst.idx.add.f32.msk $0xffff, v1;
	(pc) =	sbr.rel @p0 .LBB2_1-.Ltmp1, $4  }
0xf5: {  	[hbm4b:s14+s2] =	stream.linear.scatter [tilespmem:s20], [sflag:$0x2], $0x2000, $0x38;
	[tilespmem:$0x4480] =	vst v63  }
0xf6: {  	_ =	swait.ge [sflag:s16], $0x2000  }
0xf7: {  	[sflag:s16] =	ssyncset.done $0x0  }
0xf8: {  	[sflag:s16] =	ssyncadd.s32 $0xFFFFE000  }
0xf9: {  	_ =	sfence.sel $0x180000  }
0xfa: {  	[bflag:$0x0] =	sbarrier.arrive $0xFFFF  }
0xfb: {  	p0 =	sne.s32 s0, $0x0;
	_ =	strace $0x90000047  }
0xfc: {  	s0 =	sadd.s32 @!p0 $0x100000, s1;
	[bflag:$0x2] =	sbarrier.arrive $0xFFFF  }
0xfd: {  	[sflag:s0] =	ssyncadd.tile.s32 @!p0 $0x1;
	_ =	shalt  }
.Lfunc_end2:
_tile_overlayer_lowered:
.L_overlay_start_2:
0xfe: {  	(tag) =	ssettag $0x2  }
0xff: {  	s0 =	rddreg [dreg:$0x0];
	s2 =	stileid.u32  }
0x100: {  	s1 =	rddreg [dreg:$0x1];
	p0 =	sne.s32 s2, $0x0  }
0x101: {  	s3 =	rddreg [dreg:$0x2];
	[bflag:$0x3] =	sbarrier.arrive $0xFFFF;
	s2 =	simm.s32 @!p0 $0x1C02  }
0x102: {  	[timem:s3], [sflag:s2] =	dma.local @!p0 [hbm:s0], s1  }
0x103: {  	s0 =	simm.s32 @!p0 $0x2  }
0x104: {  	_ =	swait.ge @!p0 [sflag:s0], s1  }
0x105: {  	s1 =	ssub.s32 @!p0 $0x0, s1;
	[sflag:s0] =	ssyncset.done @!p0 $0x0  }
0x106: {  	[sflag:s0] =	ssyncadd.s32 @!p0 s1  }
0x107: {  	[bflag:$0x3] =	sbarrier.arrive $0xFFFF  }
0x108: {  	_ =	shalt  }

</sc_bundles>
